<compile_context>
chip_gen: v7x
topology: tpu7x:2x2x1
jax: 0.10.2.dev20260603
libtpu: 0.0.44.dev20260713+nightly
codegen_flags: <defaults>
</compile_context>

<pallas_src>
import functools

import jax
import jax.numpy as jnp
from jax import lax
from jax.experimental import pallas as pl
from jax.experimental.pallas import tpu as pltpu
from jax.experimental.pallas import tpu_sc as plsc

N = 10000
E = 320000
D = 128

NC = 2
NS = 16
N_ACC = 10240
ROWS_PT = N_ACC // NS
EPT = E // (NC * NS)
K = 80
NBLK = EPT // K
NBUF = 4
PAR = 2
NMAIN = 15

_sc_mesh = plsc.VectorSubcoreMesh(core_axis_name="c", subcore_axis_name="s")


@functools.partial(
    pl.kernel,
    out_type=pltpu.HBM((2 * N, D), jnp.float32),
    mesh=_sc_mesh,
    scratch_types=[
        pltpu.VMEM((NBUF * PAR, K), jnp.int32),
        pltpu.VMEM((NBUF * PAR, K), jnp.int32),
        pltpu.VMEM((K, D), jnp.float32),
        pltpu.VMEM((K, D), jnp.float32),
        pltpu.VMEM((K, D), jnp.float32),
        pltpu.VMEM((K, D), jnp.float32),
        pltpu.VMEM_SHARED((N_ACC, D), jnp.float32),
        pltpu.SemaphoreType.DMA,
        pltpu.SemaphoreType.DMA,
        pltpu.SemaphoreType.DMA,
        pltpu.SemaphoreType.DMA,
        pltpu.SemaphoreType.DMA,
        pltpu.SemaphoreType.DMA,
        pltpu.SemaphoreType.DMA,
        pltpu.SemaphoreType.DMA,
        pltpu.SemaphoreType.DMA,
        pltpu.SemaphoreType.DMA,
        pltpu.SemaphoreType.DMA,
        pltpu.SemaphoreType.DMA,
    ],
)
def _sc_aggregate(x_hbm, edge_hbm, zero_hbm, out_hbm,
                  srci_v, dsti_v, rows0, rows1, rows2, rows3, acc_sh,
                  g0, g1, g2, g3,
                  i0, i1, i2, i3, i4, i5, i6, i7):
    c = lax.axis_index("c")
    s = lax.axis_index("s")
    row0 = s * ROWS_PT
    e0 = (c * NS + s) * EPT
    rows = (rows0, rows1, rows2, rows3)
    gsem = (g0, g1, g2, g3)
    isem = (i0, i1, i2, i3, i4, i5, i6, i7)

    def issue_idx(i, j):
        off = e0 + i * K
        pltpu.async_copy(edge_hbm.at[pl.ds(off, K)], srci_v.at[j], isem[j])
        pltpu.async_copy(edge_hbm.at[pl.ds(E + off, K)], dsti_v.at[j], isem[j])

    def wait_idx(i, j):
        off = e0 + i * K
        pltpu.make_async_copy(
            edge_hbm.at[pl.ds(off, K)], srci_v.at[j], isem[j]).wait()
        pltpu.make_async_copy(
            edge_hbm.at[pl.ds(E + off, K)], dsti_v.at[j], isem[j]).wait()

    def issue_gather(b, j):
        pltpu.async_copy(x_hbm.at[srci_v.at[j]], rows[b], gsem[b])

    def wait_gather(b, j):
        pltpu.make_async_copy(
            x_hbm.at[srci_v.at[j]], rows[b], gsem[b]).wait()

    for b in range(NBUF):
        issue_idx(b, b * PAR)
        issue_idx(b + NBUF, b * PAR + 1)
    pltpu.sync_copy(zero_hbm, acc_sh.at[pl.ds(row0, ROWS_PT)])
    for b in range(NBUF):
        wait_idx(b, b * PAR)
        issue_gather(b, b * PAR)
    plsc.subcore_barrier()

    def visit(i, b, p):
        j = b * PAR + p
        jn = b * PAR + (1 - p)
        wait_gather(b, j)
        pltpu.sync_copy(rows[b], acc_sh.at[dsti_v.at[j]], add=True)

        @pl.when(i + NBUF < NBLK)
        def _():
            wait_idx(i + NBUF, jn)
            issue_gather(b, jn)

        @pl.when(i + 2 * NBUF < NBLK)
        def _():
            issue_idx(i + 2 * NBUF, j)

    def group(g, carry):
        for gg in range(PAR):
            for b in range(NBUF):
                visit((g * PAR + gg) * NBUF + b, b, gg)
        return carry

    lax.fori_loop(0, NMAIN, group, 0)

    for i in range(NMAIN * PAR * NBUF, NBLK):
        visit(i, i % NBUF, (i // NBUF) % PAR)

    plsc.subcore_barrier()

    @pl.when(s < NS - 1)
    def _():
        pltpu.sync_copy(acc_sh.at[pl.ds(row0, ROWS_PT)],
                        out_hbm.at[pl.ds(c * N + row0, ROWS_PT)])

    @pl.when(s == NS - 1)
    def _():
        tail = N - (NS - 1) * ROWS_PT
        pltpu.sync_copy(acc_sh.at[pl.ds(row0, tail)],
                        out_hbm.at[pl.ds(c * N + row0, tail)])


_TC_R = 2000


def _tc_matmul_body(a0_ref, a1_ref, w_ref, b_ref, out_ref):
    out_ref[...] = (
        jnp.dot(a0_ref[...] + a1_ref[...], w_ref[...],
                preferred_element_type=jnp.float32)
        + b_ref[...]
    )


def _tc_matmul(agg, W, b):
    b2 = b.reshape(1, D)
    return pl.pallas_call(
        _tc_matmul_body,
        grid=(N // _TC_R,),
        in_specs=[
            pl.BlockSpec((_TC_R, D), lambda i: (i, 0)),
            pl.BlockSpec((_TC_R, D), lambda i: (i + N // _TC_R, 0)),
            pl.BlockSpec((D, D), lambda i: (0, 0)),
            pl.BlockSpec((1, D), lambda i: (0, 0)),
        ],
        out_specs=pl.BlockSpec((_TC_R, D), lambda i: (i, 0)),
        out_shape=jax.ShapeDtypeStruct((N, D), jnp.float32),
    )(agg, agg, W, b2)


@jax.jit
def kernel(x, edge_index, W, b):
    ei = edge_index.astype(jnp.int32).reshape(2 * E)
    zeros = jnp.zeros((ROWS_PT, D), jnp.float32)
    agg = _sc_aggregate(x, ei, zeros)
    return _tc_matmul(agg, W, b)

# --- scband reference (transcript-rebuilt; emitter-appended) ---
"""Pipeline reference for scband-graph-convolution-34308198761262 (READ-ONLY COPY).

The authoritative reference and input builder live on the scoring server;
editing this copy changes nothing except your own understanding.
"""

import jax, jax.numpy as jnp
import numpy as np

N_NODES = 10000
N_EDGES = 320000
D_IN = 128
D_OUT = 128

def setup_inputs(seed: int = 0) -> dict:
    key = jax.random.key(seed)
    k1, k2, k3, k4 = jax.random.split(key, 4)
    x = jax.random.normal(k1, (N_NODES, D_IN), dtype=jnp.float32)
    edge_index = jax.random.randint(k2, (2, N_EDGES), 0, N_NODES, dtype=jnp.int64)
    # Parameters sized per init_kwargs (kaiming-ish uniform like reset_parameters)
    bound = 1.0 / np.sqrt(D_IN)
    W = jax.random.uniform(k3, (D_IN, D_OUT), dtype=jnp.float32, minval=-bound, maxval=bound)
    b = jax.random.uniform(k4, (D_OUT,), dtype=jnp.float32, minval=-bound, maxval=bound)
    return {"x": x, "edge_index": edge_index, "W": W, "b": b}

def reference(x, edge_index, W, b):
    # GraphConvolution: support = X @ W ; output = A @ support + bias
    # Adjacency applied in sparse (edge-list) form: gather from src, scatter-add to dst.
    support = x @ W                              # [N, D_OUT]
    src = edge_index[0]
    dst = edge_index[1]
    msgs = jnp.take(support, src, axis=0)        # gather  [E, D_OUT]
    out = jax.ops.segment_sum(msgs, dst, num_segments=x.shape[0])  # scatter-add [N, D_OUT]
    out = out + b
    return out

if __name__ == "__main__":
    import jax
    _d = setup_inputs()
    print(jax.jit(kernel)(*tuple(_d.values())))

</pallas_src>

<mosaic_0001>
#map = affine_map<(d0, d1) -> (0, 0)>
#map1 = affine_map<(d0, d1) -> (0)>
module attributes {stable_mosaic.version = 14 : i64} {
  func.func @_sc_aggregate(%arg0: i32, %arg1: i32, %arg2: memref<10000x128xf32, #tpu.memory_space<hbm>>, %arg3: memref<640000xi32, #tpu.memory_space<hbm>>, %arg4: memref<640x128xf32, #tpu.memory_space<hbm>>, %arg5: memref<20000x128xf32, #tpu.memory_space<hbm>>, %arg6: memref<8x80xi32, #tpu.memory_space<vmem>>, %arg7: memref<8x80xi32, #tpu.memory_space<vmem>>, %arg8: memref<80x128xf32, #tpu.memory_space<vmem>>, %arg9: memref<80x128xf32, #tpu.memory_space<vmem>>, %arg10: memref<80x128xf32, #tpu.memory_space<vmem>>, %arg11: memref<80x128xf32, #tpu.memory_space<vmem>>, %arg12: memref<10240x128xf32, #tpu.memory_space<vmem_shared>>, %arg13: memref<!tpu.dma_semaphore, #tpu.memory_space<semaphore_mem>>, %arg14: memref<!tpu.dma_semaphore, #tpu.memory_space<semaphore_mem>>, %arg15: memref<!tpu.dma_semaphore, #tpu.memory_space<semaphore_mem>>, %arg16: memref<!tpu.dma_semaphore, #tpu.memory_space<semaphore_mem>>, %arg17: memref<!tpu.dma_semaphore, #tpu.memory_space<semaphore_mem>>, %arg18: memref<!tpu.dma_semaphore, #tpu.memory_space<semaphore_mem>>, %arg19: memref<!tpu.dma_semaphore, #tpu.memory_space<semaphore_mem>>, %arg20: memref<!tpu.dma_semaphore, #tpu.memory_space<semaphore_mem>>, %arg21: memref<!tpu.dma_semaphore, #tpu.memory_space<semaphore_mem>>, %arg22: memref<!tpu.dma_semaphore, #tpu.memory_space<semaphore_mem>>, %arg23: memref<!tpu.dma_semaphore, #tpu.memory_space<semaphore_mem>>, %arg24: memref<!tpu.dma_semaphore, #tpu.memory_space<semaphore_mem>>) attributes {dimension_semantics = [#tpu.dimension_semantics<core_parallel>, #tpu.dimension_semantics<subcore_parallel>], iteration_bounds = array<i64: 2, 16>, scalar_prefetch = 0 : i64, scratch_operands = 19 : i64, tpu.core_type = #tpu.core_type<sc_vector_subcore>, window_params = [{transform_indices = #map}, {transform_indices = #map1}, {transform_indices = #map}, {transform_indices = #map}]} {
    %mul3A = arith.constant 640 : i32
    %mul3A_0 = arith.muli %arg1, %mul3A : i32
    %mul3A_1 = arith.constant 16 : i32
    %mul3A_2 = arith.muli %arg0, %mul3A_1 : i32
    %add3A = arith.addi %mul3A_2, %arg1 : i32
    %mul3A_3 = arith.constant 10000 : i32
    %mul3A_4 = arith.muli %add3A, %mul3A_3 : i32
    %add3A_5 = arith.constant 0 : i32
    %add3A_6 = arith.addi %mul3A_4, %add3A_5 : i32
    %dma_start3A = arith.constant 0 : i32
    %dma_start3A_7 = arith.constant 0 : i32
    %dma_start3A_8 = tpu.memref_slice %arg6[%dma_start3A, %dma_start3A_7] : memref<8x80xi32, #tpu.memory_space<vmem>> -> memref<1x80xi32, #tpu.memory_space<vmem>>
    %dma_start3A_9 = tpu.memref_squeeze %dma_start3A_8 : memref<1x80xi32, #tpu.memory_space<vmem>> -> memref<80xi32, #tpu.memory_space<vmem>>
    %dma_start3A_10 = tpu.memref_slice %arg3[%add3A_6] : memref<640000xi32, #tpu.memory_space<hbm>> -> memref<80xi32, #tpu.memory_space<hbm>>
    %dma_start3A_11 = arith.constant 0 : i32
    %dma_start3A_12 = tpu.memref_slice %arg6[%dma_start3A, %dma_start3A_11] : memref<8x80xi32, #tpu.memory_space<vmem>> -> memref<1x80xi32, #tpu.memory_space<vmem>>
    %dma_start3A_13 = tpu.memref_squeeze %dma_start3A_12 : memref<1x80xi32, #tpu.memory_space<vmem>> -> memref<80xi32, #tpu.memory_space<vmem>>
    %dma_start3A_14 = tpu.memref_slice %arg3[%add3A_6] : memref<640000xi32, #tpu.memory_space<hbm>> -> memref<80xi32, #tpu.memory_space<hbm>>
    tpu.enqueue_dma source(%dma_start3A_14 : memref<80xi32, #tpu.memory_space<hbm>>) target(%dma_start3A_13 : memref<80xi32, #tpu.memory_space<vmem>>) target_semaphore(%arg17 : memref<!tpu.dma_semaphore, #tpu.memory_space<semaphore_mem>>)
    %add3A_15 = arith.constant 320000 : i32
    %add3A_16 = arith.addi %add3A_15, %add3A_6 : i32
    %dma_start3A_17 = arith.constant 0 : i32
    %dma_start3A_18 = arith.constant 0 : i32
    %dma_start3A_19 = tpu.memref_slice %arg7[%dma_start3A_17, %dma_start3A_18] : memref<8x80xi32, #tpu.memory_space<vmem>> -> memref<1x80xi32, #tpu.memory_space<vmem>>
    %dma_start3A_20 = tpu.memref_squeeze %dma_start3A_19 : memref<1x80xi32, #tpu.memory_space<vmem>> -> memref<80xi32, #tpu.memory_space<vmem>>
    %dma_start3A_21 = tpu.memref_slice %arg3[%add3A_16] : memref<640000xi32, #tpu.memory_space<hbm>> -> memref<80xi32, #tpu.memory_space<hbm>>
    %dma_start3A_22 = arith.constant 0 : i32
    %dma_start3A_23 = tpu.memref_slice %arg7[%dma_start3A_17, %dma_start3A_22] : memref<8x80xi32, #tpu.memory_space<vmem>> -> memref<1x80xi32, #tpu.memory_space<vmem>>
    %dma_start3A_24 = tpu.memref_squeeze %dma_start3A_23 : memref<1x80xi32, #tpu.memory_space<vmem>> -> memref<80xi32, #tpu.memory_space<vmem>>
    %dma_start3A_25 = tpu.memref_slice %arg3[%add3A_16] : memref<640000xi32, #tpu.memory_space<hbm>> -> memref<80xi32, #tpu.memory_space<hbm>>
    tpu.enqueue_dma source(%dma_start3A_25 : memref<80xi32, #tpu.memory_space<hbm>>) target(%dma_start3A_24 : memref<80xi32, #tpu.memory_space<vmem>>) target_semaphore(%arg17 : memref<!tpu.dma_semaphore, #tpu.memory_space<semaphore_mem>>)
    %add3A_26 = arith.constant 320 : i32
    %add3A_27 = arith.addi %mul3A_4, %add3A_26 : i32
    %dma_start3A_28 = arith.constant 1 : i32
    %dma_start3A_29 = arith.constant 0 : i32
    %dma_start3A_30 = tpu.memref_slice %arg6[%dma_start3A_28, %dma_start3A_29] : memref<8x80xi32, #tpu.memory_space<vmem>> -> memref<1x80xi32, #tpu.memory_space<vmem>>
    %dma_start3A_31 = tpu.memref_squeeze %dma_start3A_30 : memref<1x80xi32, #tpu.memory_space<vmem>> -> memref<80xi32, #tpu.memory_space<vmem>>
    %dma_start3A_32 = tpu.memref_slice %arg3[%add3A_27] : memref<640000xi32, #tpu.memory_space<hbm>> -> memref<80xi32, #tpu.memory_space<hbm>>
    %dma_start3A_33 = arith.constant 0 : i32
    %dma_start3A_34 = tpu.memref_slice %arg6[%dma_start3A_28, %dma_start3A_33] : memref<8x80xi32, #tpu.memory_space<vmem>> -> memref<1x80xi32, #tpu.memory_space<vmem>>
    %dma_start3A_35 = tpu.memref_squeeze %dma_start3A_34 : memref<1x80xi32, #tpu.memory_space<vmem>> -> memref<80xi32, #tpu.memory_space<vmem>>
    %dma_start3A_36 = tpu.memref_slice %arg3[%add3A_27] : memref<640000xi32, #tpu.memory_space<hbm>> -> memref<80xi32, #tpu.memory_space<hbm>>
    tpu.enqueue_dma source(%dma_start3A_36 : memref<80xi32, #tpu.memory_space<hbm>>) target(%dma_start3A_35 : memref<80xi32, #tpu.memory_space<vmem>>) target_semaphore(%arg18 : memref<!tpu.dma_semaphore, #tpu.memory_space<semaphore_mem>>)
    %add3A_37 = arith.constant 320000 : i32
    %add3A_38 = arith.addi %add3A_37, %add3A_27 : i32
    %dma_start3A_39 = arith.constant 1 : i32
    %dma_start3A_40 = arith.constant 0 : i32
    %dma_start3A_41 = tpu.memref_slice %arg7[%dma_start3A_39, %dma_start3A_40] : memref<8x80xi32, #tpu.memory_space<vmem>> -> memref<1x80xi32, #tpu.memory_space<vmem>>
    %dma_start3A_42 = tpu.memref_squeeze %dma_start3A_41 : memref<1x80xi32, #tpu.memory_space<vmem>> -> memref<80xi32, #tpu.memory_space<vmem>>
    %dma_start3A_43 = tpu.memref_slice %arg3[%add3A_38] : memref<640000xi32, #tpu.memory_space<hbm>> -> memref<80xi32, #tpu.memory_space<hbm>>
    %dma_start3A_44 = arith.constant 0 : i32
    %dma_start3A_45 = tpu.memref_slice %arg7[%dma_start3A_39, %dma_start3A_44] : memref<8x80xi32, #tpu.memory_space<vmem>> -> memref<1x80xi32, #tpu.memory_space<vmem>>
    %dma_start3A_46 = tpu.memref_squeeze %dma_start3A_45 : memref<1x80xi32, #tpu.memory_space<vmem>> -> memref<80xi32, #tpu.memory_space<vmem>>
    %dma_start3A_47 = tpu.memref_slice %arg3[%add3A_38] : memref<640000xi32, #tpu.memory_space<hbm>> -> memref<80xi32, #tpu.memory_space<hbm>>
    tpu.enqueue_dma source(%dma_start3A_47 : memref<80xi32, #tpu.memory_space<hbm>>) target(%dma_start3A_46 : memref<80xi32, #tpu.memory_space<vmem>>) target_semaphore(%arg18 : memref<!tpu.dma_semaphore, #tpu.memory_space<semaphore_mem>>)
    %add3A_48 = arith.constant 80 : i32
    %add3A_49 = arith.addi %mul3A_4, %add3A_48 : i32
    %dma_start3A_50 = arith.constant 2 : i32
    %dma_start3A_51 = arith.constant 0 : i32
    %dma_start3A_52 = tpu.memref_slice %arg6[%dma_start3A_50, %dma_start3A_51] : memref<8x80xi32, #tpu.memory_space<vmem>> -> memref<1x80xi32, #tpu.memory_space<vmem>>
    %dma_start3A_53 = tpu.memref_squeeze %dma_start3A_52 : memref<1x80xi32, #tpu.memory_space<vmem>> -> memref<80xi32, #tpu.memory_space<vmem>>
    %dma_start3A_54 = tpu.memref_slice %arg3[%add3A_49] : memref<640000xi32, #tpu.memory_space<hbm>> -> memref<80xi32, #tpu.memory_space<hbm>>
    %dma_start3A_55 = arith.constant 0 : i32
    %dma_start3A_56 = tpu.memref_slice %arg6[%dma_start3A_50, %dma_start3A_55] : memref<8x80xi32, #tpu.memory_space<vmem>> -> memref<1x80xi32, #tpu.memory_space<vmem>>
    %dma_start3A_57 = tpu.memref_squeeze %dma_start3A_56 : memref<1x80xi32, #tpu.memory_space<vmem>> -> memref<80xi32, #tpu.memory_space<vmem>>
    %dma_start3A_58 = tpu.memref_slice %arg3[%add3A_49] : memref<640000xi32, #tpu.memory_space<hbm>> -> memref<80xi32, #tpu.memory_space<hbm>>
    tpu.enqueue_dma source(%dma_start3A_58 : memref<80xi32, #tpu.memory_space<hbm>>) target(%dma_start3A_57 : memref<80xi32, #tpu.memory_space<vmem>>) target_semaphore(%arg19 : memref<!tpu.dma_semaphore, #tpu.memory_space<semaphore_mem>>)
    %add3A_59 = arith.constant 320000 : i32
    %add3A_60 = arith.addi %add3A_59, %add3A_49 : i32
    %dma_start3A_61 = arith.constant 2 : i32
    %dma_start3A_62 = arith.constant 0 : i32
    %dma_start3A_63 = tpu.memref_slice %arg7[%dma_start3A_61, %dma_start3A_62] : memref<8x80xi32, #tpu.memory_space<vmem>> -> memref<1x80xi32, #tpu.memory_space<vmem>>
    %dma_start3A_64 = tpu.memref_squeeze %dma_start3A_63 : memref<1x80xi32, #tpu.memory_space<vmem>> -> memref<80xi32, #tpu.memory_space<vmem>>
    %dma_start3A_65 = tpu.memref_slice %arg3[%add3A_60] : memref<640000xi32, #tpu.memory_space<hbm>> -> memref<80xi32, #tpu.memory_space<hbm>>
    %dma_start3A_66 = arith.constant 0 : i32
    %dma_start3A_67 = tpu.memref_slice %arg7[%dma_start3A_61, %dma_start3A_66] : memref<8x80xi32, #tpu.memory_space<vmem>> -> memref<1x80xi32, #tpu.memory_space<vmem>>
    %dma_start3A_68 = tpu.memref_squeeze %dma_start3A_67 : memref<1x80xi32, #tpu.memory_space<vmem>> -> memref<80xi32, #tpu.memory_space<vmem>>
    %dma_start3A_69 = tpu.memref_slice %arg3[%add3A_60] : memref<640000xi32, #tpu.memory_space<hbm>> -> memref<80xi32, #tpu.memory_space<hbm>>
    tpu.enqueue_dma source(%dma_start3A_69 : memref<80xi32, #tpu.memory_space<hbm>>) target(%dma_start3A_68 : memref<80xi32, #tpu.memory_space<vmem>>) target_semaphore(%arg19 : memref<!tpu.dma_semaphore, #tpu.memory_space<semaphore_mem>>)
    %add3A_70 = arith.constant 400 : i32
    %add3A_71 = arith.addi %mul3A_4, %add3A_70 : i32
    %dma_start3A_72 = arith.constant 3 : i32
    %dma_start3A_73 = arith.constant 0 : i32
    %dma_start3A_74 = tpu.memref_slice %arg6[%dma_start3A_72, %dma_start3A_73] : memref<8x80xi32, #tpu.memory_space<vmem>> -> memref<1x80xi32, #tpu.memory_space<vmem>>
    %dma_start3A_75 = tpu.memref_squeeze %dma_start3A_74 : memref<1x80xi32, #tpu.memory_space<vmem>> -> memref<80xi32, #tpu.memory_space<vmem>>
    %dma_start3A_76 = tpu.memref_slice %arg3[%add3A_71] : memref<640000xi32, #tpu.memory_space<hbm>> -> memref<80xi32, #tpu.memory_space<hbm>>
    %dma_start3A_77 = arith.constant 0 : i32
    %dma_start3A_78 = tpu.memref_slice %arg6[%dma_start3A_72, %dma_start3A_77] : memref<8x80xi32, #tpu.memory_space<vmem>> -> memref<1x80xi32, #tpu.memory_space<vmem>>
    %dma_start3A_79 = tpu.memref_squeeze %dma_start3A_78 : memref<1x80xi32, #tpu.memory_space<vmem>> -> memref<80xi32, #tpu.memory_space<vmem>>
    %dma_start3A_80 = tpu.memref_slice %arg3[%add3A_71] : memref<640000xi32, #tpu.memory_space<hbm>> -> memref<80xi32, #tpu.memory_space<hbm>>
    tpu.enqueue_dma source(%dma_start3A_80 : memref<80xi32, #tpu.memory_space<hbm>>) target(%dma_start3A_79 : memref<80xi32, #tpu.memory_space<vmem>>) target_semaphore(%arg20 : memref<!tpu.dma_semaphore, #tpu.memory_space<semaphore_mem>>)
    %add3A_81 = arith.constant 320000 : i32
    %add3A_82 = arith.addi %add3A_81, %add3A_71 : i32
    %dma_start3A_83 = arith.constant 3 : i32
    %dma_start3A_84 = arith.constant 0 : i32
    %dma_start3A_85 = tpu.memref_slice %arg7[%dma_start3A_83, %dma_start3A_84] : memref<8x80xi32, #tpu.memory_space<vmem>> -> memref<1x80xi32, #tpu.memory_space<vmem>>
    %dma_start3A_86 = tpu.memref_squeeze %dma_start3A_85 : memref<1x80xi32, #tpu.memory_space<vmem>> -> memref<80xi32, #tpu.memory_space<vmem>>
    %dma_start3A_87 = tpu.memref_slice %arg3[%add3A_82] : memref<640000xi32, #tpu.memory_space<hbm>> -> memref<80xi32, #tpu.memory_space<hbm>>
    %dma_start3A_88 = arith.constant 0 : i32
    %dma_start3A_89 = tpu.memref_slice %arg7[%dma_start3A_83, %dma_start3A_88] : memref<8x80xi32, #tpu.memory_space<vmem>> -> memref<1x80xi32, #tpu.memory_space<vmem>>
    %dma_start3A_90 = tpu.memref_squeeze %dma_start3A_89 : memref<1x80xi32, #tpu.memory_space<vmem>> -> memref<80xi32, #tpu.memory_space<vmem>>
    %dma_start3A_91 = tpu.memref_slice %arg3[%add3A_82] : memref<640000xi32, #tpu.memory_space<hbm>> -> memref<80xi32, #tpu.memory_space<hbm>>
    tpu.enqueue_dma source(%dma_start3A_91 : memref<80xi32, #tpu.memory_space<hbm>>) target(%dma_start3A_90 : memref<80xi32, #tpu.memory_space<vmem>>) target_semaphore(%arg20 : memref<!tpu.dma_semaphore, #tpu.memory_space<semaphore_mem>>)
    %add3A_92 = arith.constant 160 : i32
    %add3A_93 = arith.addi %mul3A_4, %add3A_92 : i32
    %dma_start3A_94 = arith.constant 4 : i32
    %dma_start3A_95 = arith.constant 0 : i32
    %dma_start3A_96 = tpu.memref_slice %arg6[%dma_start3A_94, %dma_start3A_95] : memref<8x80xi32, #tpu.memory_space<vmem>> -> memref<1x80xi32, #tpu.memory_space<vmem>>
    %dma_start3A_97 = tpu.memref_squeeze %dma_start3A_96 : memref<1x80xi32, #tpu.memory_space<vmem>> -> memref<80xi32, #tpu.memory_space<vmem>>
    %dma_start3A_98 = tpu.memref_slice %arg3[%add3A_93] : memref<640000xi32, #tpu.memory_space<hbm>> -> memref<80xi32, #tpu.memory_space<hbm>>
    %dma_start3A_99 = arith.constant 0 : i32
    %dma_start3A_100 = tpu.memref_slice %arg6[%dma_start3A_94, %dma_start3A_99] : memref<8x80xi32, #tpu.memory_space<vmem>> -> memref<1x80xi32, #tpu.memory_space<vmem>>
    %dma_start3A_101 = tpu.memref_squeeze %dma_start3A_100 : memref<1x80xi32, #tpu.memory_space<vmem>> -> memref<80xi32, #tpu.memory_space<vmem>>
    %dma_start3A_102 = tpu.memref_slice %arg3[%add3A_93] : memref<640000xi32, #tpu.memory_space<hbm>> -> memref<80xi32, #tpu.memory_space<hbm>>
    tpu.enqueue_dma source(%dma_start3A_102 : memref<80xi32, #tpu.memory_space<hbm>>) target(%dma_start3A_101 : memref<80xi32, #tpu.memory_space<vmem>>) target_semaphore(%arg21 : memref<!tpu.dma_semaphore, #tpu.memory_space<semaphore_mem>>)
    %add3A_103 = arith.constant 320000 : i32
    %add3A_104 = arith.addi %add3A_103, %add3A_93 : i32
    %dma_start3A_105 = arith.constant 4 : i32
    %dma_start3A_106 = arith.constant 0 : i32
    %dma_start3A_107 = tpu.memref_slice %arg7[%dma_start3A_105, %dma_start3A_106] : memref<8x80xi32, #tpu.memory_space<vmem>> -> memref<1x80xi32, #tpu.memory_space<vmem>>
    %dma_start3A_108 = tpu.memref_squeeze %dma_start3A_107 : memref<1x80xi32, #tpu.memory_space<vmem>> -> memref<80xi32, #tpu.memory_space<vmem>>
    %dma_start3A_109 = tpu.memref_slice %arg3[%add3A_104] : memref<640000xi32, #tpu.memory_space<hbm>> -> memref<80xi32, #tpu.memory_space<hbm>>
    %dma_start3A_110 = arith.constant 0 : i32
    %dma_start3A_111 = tpu.memref_slice %arg7[%dma_start3A_105, %dma_start3A_110] : memref<8x80xi32, #tpu.memory_space<vmem>> -> memref<1x80xi32, #tpu.memory_space<vmem>>
    %dma_start3A_112 = tpu.memref_squeeze %dma_start3A_111 : memref<1x80xi32, #tpu.memory_space<vmem>> -> memref<80xi32, #tpu.memory_space<vmem>>
    %dma_start3A_113 = tpu.memref_slice %arg3[%add3A_104] : memref<640000xi32, #tpu.memory_space<hbm>> -> memref<80xi32, #tpu.memory_space<hbm>>
    tpu.enqueue_dma source(%dma_start3A_113 : memref<80xi32, #tpu.memory_space<hbm>>) target(%dma_start3A_112 : memref<80xi32, #tpu.memory_space<vmem>>) target_semaphore(%arg21 : memref<!tpu.dma_semaphore, #tpu.memory_space<semaphore_mem>>)
    %add3A_114 = arith.constant 480 : i32
    %add3A_115 = arith.addi %mul3A_4, %add3A_114 : i32
    %dma_start3A_116 = arith.constant 5 : i32
    %dma_start3A_117 = arith.constant 0 : i32
    %dma_start3A_118 = tpu.memref_slice %arg6[%dma_start3A_116, %dma_start3A_117] : memref<8x80xi32, #tpu.memory_space<vmem>> -> memref<1x80xi32, #tpu.memory_space<vmem>>
    %dma_start3A_119 = tpu.memref_squeeze %dma_start3A_118 : memref<1x80xi32, #tpu.memory_space<vmem>> -> memref<80xi32, #tpu.memory_space<vmem>>
    %dma_start3A_120 = tpu.memref_slice %arg3[%add3A_115] : memref<640000xi32, #tpu.memory_space<hbm>> -> memref<80xi32, #tpu.memory_space<hbm>>
    %dma_start3A_121 = arith.constant 0 : i32
    %dma_start3A_122 = tpu.memref_slice %arg6[%dma_start3A_116, %dma_start3A_121] : memref<8x80xi32, #tpu.memory_space<vmem>> -> memref<1x80xi32, #tpu.memory_space<vmem>>
    %dma_start3A_123 = tpu.memref_squeeze %dma_start3A_122 : memref<1x80xi32, #tpu.memory_space<vmem>> -> memref<80xi32, #tpu.memory_space<vmem>>
    %dma_start3A_124 = tpu.memref_slice %arg3[%add3A_115] : memref<640000xi32, #tpu.memory_space<hbm>> -> memref<80xi32, #tpu.memory_space<hbm>>
    tpu.enqueue_dma source(%dma_start3A_124 : memref<80xi32, #tpu.memory_space<hbm>>) target(%dma_start3A_123 : memref<80xi32, #tpu.memory_space<vmem>>) target_semaphore(%arg22 : memref<!tpu.dma_semaphore, #tpu.memory_space<semaphore_mem>>)
    %add3A_125 = arith.constant 320000 : i32
    %add3A_126 = arith.addi %add3A_125, %add3A_115 : i32
    %dma_start3A_127 = arith.constant 5 : i32
    %dma_start3A_128 = arith.constant 0 : i32
    %dma_start3A_129 = tpu.memref_slice %arg7[%dma_start3A_127, %dma_start3A_128] : memref<8x80xi32, #tpu.memory_space<vmem>> -> memref<1x80xi32, #tpu.memory_space<vmem>>
    %dma_start3A_130 = tpu.memref_squeeze %dma_start3A_129 : memref<1x80xi32, #tpu.memory_space<vmem>> -> memref<80xi32, #tpu.memory_space<vmem>>
    %dma_start3A_131 = tpu.memref_slice %arg3[%add3A_126] : memref<640000xi32, #tpu.memory_space<hbm>> -> memref<80xi32, #tpu.memory_space<hbm>>
    %dma_start3A_132 = arith.constant 0 : i32
    %dma_start3A_133 = tpu.memref_slice %arg7[%dma_start3A_127, %dma_start3A_132] : memref<8x80xi32, #tpu.memory_space<vmem>> -> memref<1x80xi32, #tpu.memory_space<vmem>>
    %dma_start3A_134 = tpu.memref_squeeze %dma_start3A_133 : memref<1x80xi32, #tpu.memory_space<vmem>> -> memref<80xi32, #tpu.memory_space<vmem>>
    %dma_start3A_135 = tpu.memref_slice %arg3[%add3A_126] : memref<640000xi32, #tpu.memory_space<hbm>> -> memref<80xi32, #tpu.memory_space<hbm>>
    tpu.enqueue_dma source(%dma_start3A_135 : memref<80xi32, #tpu.memory_space<hbm>>) target(%dma_start3A_134 : memref<80xi32, #tpu.memory_space<vmem>>) target_semaphore(%arg22 : memref<!tpu.dma_semaphore, #tpu.memory_space<semaphore_mem>>)
    %add3A_136 = arith.constant 240 : i32
    %add3A_137 = arith.addi %mul3A_4, %add3A_136 : i32
    %dma_start3A_138 = arith.constant 6 : i32
    %dma_start3A_139 = arith.constant 0 : i32
    %dma_start3A_140 = tpu.memref_slice %arg6[%dma_start3A_138, %dma_start3A_139] : memref<8x80xi32, #tpu.memory_space<vmem>> -> memref<1x80xi32, #tpu.memory_space<vmem>>
    %dma_start3A_141 = tpu.memref_squeeze %dma_start3A_140 : memref<1x80xi32, #tpu.memory_space<vmem>> -> memref<80xi32, #tpu.memory_space<vmem>>
    %dma_start3A_142 = tpu.memref_slice %arg3[%add3A_137] : memref<640000xi32, #tpu.memory_space<hbm>> -> memref<80xi32, #tpu.memory_space<hbm>>
    %dma_start3A_143 = arith.constant 0 : i32
    %dma_start3A_144 = tpu.memref_slice %arg6[%dma_start3A_138, %dma_start3A_143] : memref<8x80xi32, #tpu.memory_space<vmem>> -> memref<1x80xi32, #tpu.memory_space<vmem>>
    %dma_start3A_145 = tpu.memref_squeeze %dma_start3A_144 : memref<1x80xi32, #tpu.memory_space<vmem>> -> memref<80xi32, #tpu.memory_space<vmem>>
    %dma_start3A_146 = tpu.memref_slice %arg3[%add3A_137] : memref<640000xi32, #tpu.memory_space<hbm>> -> memref<80xi32, #tpu.memory_space<hbm>>
    tpu.enqueue_dma source(%dma_start3A_146 : memref<80xi32, #tpu.memory_space<hbm>>) target(%dma_start3A_145 : memref<80xi32, #tpu.memory_space<vmem>>) target_semaphore(%arg23 : memref<!tpu.dma_semaphore, #tpu.memory_space<semaphore_mem>>)
    %add3A_147 = arith.constant 320000 : i32
    %add3A_148 = arith.addi %add3A_147, %add3A_137 : i32
    %dma_start3A_149 = arith.constant 6 : i32
    %dma_start3A_150 = arith.constant 0 : i32
    %dma_start3A_151 = tpu.memref_slice %arg7[%dma_start3A_149, %dma_start3A_150] : memref<8x80xi32, #tpu.memory_space<vmem>> -> memref<1x80xi32, #tpu.memory_space<vmem>>
    %dma_start3A_152 = tpu.memref_squeeze %dma_start3A_151 : memref<1x80xi32, #tpu.memory_space<vmem>> -> memref<80xi32, #tpu.memory_space<vmem>>
    %dma_start3A_153 = tpu.memref_slice %arg3[%add3A_148] : memref<640000xi32, #tpu.memory_space<hbm>> -> memref<80xi32, #tpu.memory_space<hbm>>
    %dma_start3A_154 = arith.constant 0 : i32
    %dma_start3A_155 = tpu.memref_slice %arg7[%dma_start3A_149, %dma_start3A_154] : memref<8x80xi32, #tpu.memory_space<vmem>> -> memref<1x80xi32, #tpu.memory_space<vmem>>
    %dma_start3A_156 = tpu.memref_squeeze %dma_start3A_155 : memref<1x80xi32, #tpu.memory_space<vmem>> -> memref<80xi32, #tpu.memory_space<vmem>>
    %dma_start3A_157 = tpu.memref_slice %arg3[%add3A_148] : memref<640000xi32, #tpu.memory_space<hbm>> -> memref<80xi32, #tpu.memory_space<hbm>>
    tpu.enqueue_dma source(%dma_start3A_157 : memref<80xi32, #tpu.memory_space<hbm>>) target(%dma_start3A_156 : memref<80xi32, #tpu.memory_space<vmem>>) target_semaphore(%arg23 : memref<!tpu.dma_semaphore, #tpu.memory_space<semaphore_mem>>)
    %add3A_158 = arith.constant 560 : i32
    %add3A_159 = arith.addi %mul3A_4, %add3A_158 : i32
    %dma_start3A_160 = arith.constant 7 : i32
    %dma_start3A_161 = arith.constant 0 : i32
    %dma_start3A_162 = tpu.memref_slice %arg6[%dma_start3A_160, %dma_start3A_161] : memref<8x80xi32, #tpu.memory_space<vmem>> -> memref<1x80xi32, #tpu.memory_space<vmem>>
    %dma_start3A_163 = tpu.memref_squeeze %dma_start3A_162 : memref<1x80xi32, #tpu.memory_space<vmem>> -> memref<80xi32, #tpu.memory_space<vmem>>
    %dma_start3A_164 = tpu.memref_slice %arg3[%add3A_159] : memref<640000xi32, #tpu.memory_space<hbm>> -> memref<80xi32, #tpu.memory_space<hbm>>
    %dma_start3A_165 = arith.constant 0 : i32
    %dma_start3A_166 = tpu.memref_slice %arg6[%dma_start3A_160, %dma_start3A_165] : memref<8x80xi32, #tpu.memory_space<vmem>> -> memref<1x80xi32, #tpu.memory_space<vmem>>
    %dma_start3A_167 = tpu.memref_squeeze %dma_start3A_166 : memref<1x80xi32, #tpu.memory_space<vmem>> -> memref<80xi32, #tpu.memory_space<vmem>>
    %dma_start3A_168 = tpu.memref_slice %arg3[%add3A_159] : memref<640000xi32, #tpu.memory_space<hbm>> -> memref<80xi32, #tpu.memory_space<hbm>>
    tpu.enqueue_dma source(%dma_start3A_168 : memref<80xi32, #tpu.memory_space<hbm>>) target(%dma_start3A_167 : memref<80xi32, #tpu.memory_space<vmem>>) target_semaphore(%arg24 : memref<!tpu.dma_semaphore, #tpu.memory_space<semaphore_mem>>)
    %add3A_169 = arith.constant 320000 : i32
    %add3A_170 = arith.addi %add3A_169, %add3A_159 : i32
    %dma_start3A_171 = arith.constant 7 : i32
    %dma_start3A_172 = arith.constant 0 : i32
    %dma_start3A_173 = tpu.memref_slice %arg7[%dma_start3A_171, %dma_start3A_172] : memref<8x80xi32, #tpu.memory_space<vmem>> -> memref<1x80xi32, #tpu.memory_space<vmem>>
    %dma_start3A_174 = tpu.memref_squeeze %dma_start3A_173 : memref<1x80xi32, #tpu.memory_space<vmem>> -> memref<80xi32, #tpu.memory_space<vmem>>
    %dma_start3A_175 = tpu.memref_slice %arg3[%add3A_170] : memref<640000xi32, #tpu.memory_space<hbm>> -> memref<80xi32, #tpu.memory_space<hbm>>
    %dma_start3A_176 = arith.constant 0 : i32
    %dma_start3A_177 = tpu.memref_slice %arg7[%dma_start3A_171, %dma_start3A_176] : memref<8x80xi32, #tpu.memory_space<vmem>> -> memref<1x80xi32, #tpu.memory_space<vmem>>
    %dma_start3A_178 = tpu.memref_squeeze %dma_start3A_177 : memref<1x80xi32, #tpu.memory_space<vmem>> -> memref<80xi32, #tpu.memory_space<vmem>>
    %dma_start3A_179 = tpu.memref_slice %arg3[%add3A_170] : memref<640000xi32, #tpu.memory_space<hbm>> -> memref<80xi32, #tpu.memory_space<hbm>>
    tpu.enqueue_dma source(%dma_start3A_179 : memref<80xi32, #tpu.memory_space<hbm>>) target(%dma_start3A_178 : memref<80xi32, #tpu.memory_space<vmem>>) target_semaphore(%arg24 : memref<!tpu.dma_semaphore, #tpu.memory_space<semaphore_mem>>)
    "tpu.region"() ({
      %run_scoped3A_375 = tpu.sem_alloc : memref<!tpu.dma_semaphore, #tpu.memory_space<semaphore_mem>>
      %dma_start3A_376 = arith.constant 0 : i32
      %dma_start3A_377 = tpu.memref_slice %arg12[%mul3A_0, %dma_start3A_376] : memref<10240x128xf32, #tpu.memory_space<vmem_shared>> -> memref<640x128xf32, #tpu.memory_space<vmem_shared>>
      tpu.enqueue_dma source(%arg4 : memref<640x128xf32, #tpu.memory_space<hbm>>) target(%dma_start3A_377 : memref<640x128xf32, #tpu.memory_space<vmem_shared>>) target_semaphore(%run_scoped3A_375 : memref<!tpu.dma_semaphore, #tpu.memory_space<semaphore_mem>>)
      %dma_wait3A_378 = arith.constant 0 : i32
      %dma_wait3A_379 = tpu.memref_slice %arg12[%mul3A_0, %dma_wait3A_378] : memref<10240x128xf32, #tpu.memory_space<vmem_shared>> -> memref<640x128xf32, #tpu.memory_space<vmem_shared>>
      tpu.wait_dma2 semaphore(%run_scoped3A_375 : memref<!tpu.dma_semaphore, #tpu.memory_space<semaphore_mem>>) src(%arg4 : memref<640x128xf32, #tpu.memory_space<hbm>>) dst(%dma_wait3A_379 : memref<640x128xf32, #tpu.memory_space<vmem_shared>>)
      tpu.yield
    }) : () -> ()
    %add3A_180 = arith.constant 0 : i32
    %add3A_181 = arith.addi %mul3A_4, %add3A_180 : i32
    %dma_wait3A = arith.constant 0 : i32
    %dma_wait3A_182 = arith.constant 0 : i32
    %dma_wait3A_183 = tpu.memref_slice %arg6[%dma_wait3A, %dma_wait3A_182] : memref<8x80xi32, #tpu.memory_space<vmem>> -> memref<1x80xi32, #tpu.memory_space<vmem>>
    %dma_wait3A_184 = tpu.memref_squeeze %dma_wait3A_183 : memref<1x80xi32, #tpu.memory_space<vmem>> -> memref<80xi32, #tpu.memory_space<vmem>>
    %dma_wait3A_185 = tpu.memref_slice %arg3[%add3A_181] : memref<640000xi32, #tpu.memory_space<hbm>> -> memref<80xi32, #tpu.memory_space<hbm>>
    %dma_wait3A_186 = arith.constant 0 : i32
    %dma_wait3A_187 = tpu.memref_slice %arg6[%dma_wait3A, %dma_wait3A_186] : memref<8x80xi32, #tpu.memory_space<vmem>> -> memref<1x80xi32, #tpu.memory_space<vmem>>
    %dma_wait3A_188 = tpu.memref_squeeze %dma_wait3A_187 : memref<1x80xi32, #tpu.memory_space<vmem>> -> memref<80xi32, #tpu.memory_space<vmem>>
    %dma_wait3A_189 = tpu.memref_slice %arg3[%add3A_181] : memref<640000xi32, #tpu.memory_space<hbm>> -> memref<80xi32, #tpu.memory_space<hbm>>
    tpu.wait_dma2 semaphore(%arg17 : memref<!tpu.dma_semaphore, #tpu.memory_space<semaphore_mem>>) src(%dma_wait3A_189 : memref<80xi32, #tpu.memory_space<hbm>>) dst(%dma_wait3A_188 : memref<80xi32, #tpu.memory_space<vmem>>)
    %add3A_190 = arith.constant 320000 : i32
    %add3A_191 = arith.addi %add3A_190, %add3A_181 : i32
    %dma_wait3A_192 = arith.constant 0 : i32
    %dma_wait3A_193 = arith.constant 0 : i32
    %dma_wait3A_194 = tpu.memref_slice %arg7[%dma_wait3A_192, %dma_wait3A_193] : memref<8x80xi32, #tpu.memory_space<vmem>> -> memref<1x80xi32, #tpu.memory_space<vmem>>
    %dma_wait3A_195 = tpu.memref_squeeze %dma_wait3A_194 : memref<1x80xi32, #tpu.memory_space<vmem>> -> memref<80xi32, #tpu.memory_space<vmem>>
    %dma_wait3A_196 = tpu.memref_slice %arg3[%add3A_191] : memref<640000xi32, #tpu.memory_space<hbm>> -> memref<80xi32, #tpu.memory_space<hbm>>
    %dma_wait3A_197 = arith.constant 0 : i32
    %dma_wait3A_198 = tpu.memref_slice %arg7[%dma_wait3A_192, %dma_wait3A_197] : memref<8x80xi32, #tpu.memory_space<vmem>> -> memref<1x80xi32, #tpu.memory_space<vmem>>
    %dma_wait3A_199 = tpu.memref_squeeze %dma_wait3A_198 : memref<1x80xi32, #tpu.memory_space<vmem>> -> memref<80xi32, #tpu.memory_space<vmem>>
    %dma_wait3A_200 = tpu.memref_slice %arg3[%add3A_191] : memref<640000xi32, #tpu.memory_space<hbm>> -> memref<80xi32, #tpu.memory_space<hbm>>
    tpu.wait_dma2 semaphore(%arg17 : memref<!tpu.dma_semaphore, #tpu.memory_space<semaphore_mem>>) src(%dma_wait3A_200 : memref<80xi32, #tpu.memory_space<hbm>>) dst(%dma_wait3A_199 : memref<80xi32, #tpu.memory_space<vmem>>)
    %dma_start3A_201 = arith.constant 0 : i32
    %dma_start3A_202 = arith.constant 0 : i32
    %dma_start3A_203 = tpu.memref_slice %arg6[%dma_start3A_201, %dma_start3A_202] : memref<8x80xi32, #tpu.memory_space<vmem>> -> memref<1x80xi32, #tpu.memory_space<vmem>>
    %dma_start3A_204 = tpu.memref_squeeze %dma_start3A_203 : memref<1x80xi32, #tpu.memory_space<vmem>> -> memref<80xi32, #tpu.memory_space<vmem>>
    %dma_start3A_205 = arith.constant 0 : i32
    %dma_start3A_206 = arith.constant 0 : i32
    %dma_start3A_207 = tpu.memref_slice %arg2[%dma_start3A_205, %dma_start3A_206] : memref<10000x128xf32, #tpu.memory_space<hbm>> -> memref<10000x128xf32, #tpu.memory_space<hbm>>
    tpu.enqueue_indirect_dma source(%dma_start3A_207 : memref<10000x128xf32, #tpu.memory_space<hbm>>) target(%arg8 : memref<80x128xf32, #tpu.memory_space<vmem>>) offsets(%dma_start3A_204 : memref<80xi32, #tpu.memory_space<vmem>>) semaphore(%arg13 : memref<!tpu.dma_semaphore, #tpu.memory_space<semaphore_mem>>)
    %add3A_208 = arith.constant 80 : i32
    %add3A_209 = arith.addi %mul3A_4, %add3A_208 : i32
    %dma_wait3A_210 = arith.constant 2 : i32
    %dma_wait3A_211 = arith.constant 0 : i32
    %dma_wait3A_212 = tpu.memref_slice %arg6[%dma_wait3A_210, %dma_wait3A_211] : memref<8x80xi32, #tpu.memory_space<vmem>> -> memref<1x80xi32, #tpu.memory_space<vmem>>
    %dma_wait3A_213 = tpu.memref_squeeze %dma_wait3A_212 : memref<1x80xi32, #tpu.memory_space<vmem>> -> memref<80xi32, #tpu.memory_space<vmem>>
    %dma_wait3A_214 = tpu.memref_slice %arg3[%add3A_209] : memref<640000xi32, #tpu.memory_space<hbm>> -> memref<80xi32, #tpu.memory_space<hbm>>
    %dma_wait3A_215 = arith.constant 0 : i32
    %dma_wait3A_216 = tpu.memref_slice %arg6[%dma_wait3A_210, %dma_wait3A_215] : memref<8x80xi32, #tpu.memory_space<vmem>> -> memref<1x80xi32, #tpu.memory_space<vmem>>
    %dma_wait3A_217 = tpu.memref_squeeze %dma_wait3A_216 : memref<1x80xi32, #tpu.memory_space<vmem>> -> memref<80xi32, #tpu.memory_space<vmem>>
    %dma_wait3A_218 = tpu.memref_slice %arg3[%add3A_209] : memref<640000xi32, #tpu.memory_space<hbm>> -> memref<80xi32, #tpu.memory_space<hbm>>
    tpu.wait_dma2 semaphore(%arg19 : memref<!tpu.dma_semaphore, #tpu.memory_space<semaphore_mem>>) src(%dma_wait3A_218 : memref<80xi32, #tpu.memory_space<hbm>>) dst(%dma_wait3A_217 : memref<80xi32, #tpu.memory_space<vmem>>)
    %add3A_219 = arith.constant 320000 : i32
    %add3A_220 = arith.addi %add3A_219, %add3A_209 : i32
    %dma_wait3A_221 = arith.constant 2 : i32
    %dma_wait3A_222 = arith.constant 0 : i32
    %dma_wait3A_223 = tpu.memref_slice %arg7[%dma_wait3A_221, %dma_wait3A_222] : memref<8x80xi32, #tpu.memory_space<vmem>> -> memref<1x80xi32, #tpu.memory_space<vmem>>
    %dma_wait3A_224 = tpu.memref_squeeze %dma_wait3A_223 : memref<1x80xi32, #tpu.memory_space<vmem>> -> memref<80xi32, #tpu.memory_space<vmem>>
    %dma_wait3A_225 = tpu.memref_slice %arg3[%add3A_220] : memref<640000xi32, #tpu.memory_space<hbm>> -> memref<80xi32, #tpu.memory_space<hbm>>
    %dma_wait3A_226 = arith.constant 0 : i32
    %dma_wait3A_227 = tpu.memref_slice %arg7[%dma_wait3A_221, %dma_wait3A_226] : memref<8x80xi32, #tpu.memory_space<vmem>> -> memref<1x80xi32, #tpu.memory_space<vmem>>
    %dma_wait3A_228 = tpu.memref_squeeze %dma_wait3A_227 : memref<1x80xi32, #tpu.memory_space<vmem>> -> memref<80xi32, #tpu.memory_space<vmem>>
    %dma_wait3A_229 = tpu.memref_slice %arg3[%add3A_220] : memref<640000xi32, #tpu.memory_space<hbm>> -> memref<80xi32, #tpu.memory_space<hbm>>
    tpu.wait_dma2 semaphore(%arg19 : memref<!tpu.dma_semaphore, #tpu.memory_space<semaphore_mem>>) src(%dma_wait3A_229 : memref<80xi32, #tpu.memory_space<hbm>>) dst(%dma_wait3A_228 : memref<80xi32, #tpu.memory_space<vmem>>)
    %dma_start3A_230 = arith.constant 2 : i32
    %dma_start3A_231 = arith.constant 0 : i32
    %dma_start3A_232 = tpu.memref_slice %arg6[%dma_start3A_230, %dma_start3A_231] : memref<8x80xi32, #tpu.memory_space<vmem>> -> memref<1x80xi32, #tpu.memory_space<vmem>>
    %dma_start3A_233 = tpu.memref_squeeze %dma_start3A_232 : memref<1x80xi32, #tpu.memory_space<vmem>> -> memref<80xi32, #tpu.memory_space<vmem>>
    %dma_start3A_234 = arith.constant 0 : i32
    %dma_start3A_235 = arith.constant 0 : i32
    %dma_start3A_236 = tpu.memref_slice %arg2[%dma_start3A_234, %dma_start3A_235] : memref<10000x128xf32, #tpu.memory_space<hbm>> -> memref<10000x128xf32, #tpu.memory_space<hbm>>
    tpu.enqueue_indirect_dma source(%dma_start3A_236 : memref<10000x128xf32, #tpu.memory_space<hbm>>) target(%arg9 : memref<80x128xf32, #tpu.memory_space<vmem>>) offsets(%dma_start3A_233 : memref<80xi32, #tpu.memory_space<vmem>>) semaphore(%arg14 : memref<!tpu.dma_semaphore, #tpu.memory_space<semaphore_mem>>)
    %add3A_237 = arith.constant 160 : i32
    %add3A_238 = arith.addi %mul3A_4, %add3A_237 : i32
    %dma_wait3A_239 = arith.constant 4 : i32
    %dma_wait3A_240 = arith.constant 0 : i32
    %dma_wait3A_241 = tpu.memref_slice %arg6[%dma_wait3A_239, %dma_wait3A_240] : memref<8x80xi32, #tpu.memory_space<vmem>> -> memref<1x80xi32, #tpu.memory_space<vmem>>
    %dma_wait3A_242 = tpu.memref_squeeze %dma_wait3A_241 : memref<1x80xi32, #tpu.memory_space<vmem>> -> memref<80xi32, #tpu.memory_space<vmem>>
    %dma_wait3A_243 = tpu.memref_slice %arg3[%add3A_238] : memref<640000xi32, #tpu.memory_space<hbm>> -> memref<80xi32, #tpu.memory_space<hbm>>
    %dma_wait3A_244 = arith.constant 0 : i32
    %dma_wait3A_245 = tpu.memref_slice %arg6[%dma_wait3A_239, %dma_wait3A_244] : memref<8x80xi32, #tpu.memory_space<vmem>> -> memref<1x80xi32, #tpu.memory_space<vmem>>
    %dma_wait3A_246 = tpu.memref_squeeze %dma_wait3A_245 : memref<1x80xi32, #tpu.memory_space<vmem>> -> memref<80xi32, #tpu.memory_space<vmem>>
    %dma_wait3A_247 = tpu.memref_slice %arg3[%add3A_238] : memref<640000xi32, #tpu.memory_space<hbm>> -> memref<80xi32, #tpu.memory_space<hbm>>
    tpu.wait_dma2 semaphore(%arg21 : memref<!tpu.dma_semaphore, #tpu.memory_space<semaphore_mem>>) src(%dma_wait3A_247 : memref<80xi32, #tpu.memory_space<hbm>>) dst(%dma_wait3A_246 : memref<80xi32, #tpu.memory_space<vmem>>)
    %add3A_248 = arith.constant 320000 : i32
    %add3A_249 = arith.addi %add3A_248, %add3A_238 : i32
    %dma_wait3A_250 = arith.constant 4 : i32
    %dma_wait3A_251 = arith.constant 0 : i32
    %dma_wait3A_252 = tpu.memref_slice %arg7[%dma_wait3A_250, %dma_wait3A_251] : memref<8x80xi32, #tpu.memory_space<vmem>> -> memref<1x80xi32, #tpu.memory_space<vmem>>
    %dma_wait3A_253 = tpu.memref_squeeze %dma_wait3A_252 : memref<1x80xi32, #tpu.memory_space<vmem>> -> memref<80xi32, #tpu.memory_space<vmem>>
    %dma_wait3A_254 = tpu.memref_slice %arg3[%add3A_249] : memref<640000xi32, #tpu.memory_space<hbm>> -> memref<80xi32, #tpu.memory_space<hbm>>
    %dma_wait3A_255 = arith.constant 0 : i32
    %dma_wait3A_256 = tpu.memref_slice %arg7[%dma_wait3A_250, %dma_wait3A_255] : memref<8x80xi32, #tpu.memory_space<vmem>> -> memref<1x80xi32, #tpu.memory_space<vmem>>
    %dma_wait3A_257 = tpu.memref_squeeze %dma_wait3A_256 : memref<1x80xi32, #tpu.memory_space<vmem>> -> memref<80xi32, #tpu.memory_space<vmem>>
    %dma_wait3A_258 = tpu.memref_slice %arg3[%add3A_249] : memref<640000xi32, #tpu.memory_space<hbm>> -> memref<80xi32, #tpu.memory_space<hbm>>
    tpu.wait_dma2 semaphore(%arg21 : memref<!tpu.dma_semaphore, #tpu.memory_space<semaphore_mem>>) src(%dma_wait3A_258 : memref<80xi32, #tpu.memory_space<hbm>>) dst(%dma_wait3A_257 : memref<80xi32, #tpu.memory_space<vmem>>)
    %dma_start3A_259 = arith.constant 4 : i32
    %dma_start3A_260 = arith.constant 0 : i32
    %dma_start3A_261 = tpu.memref_slice %arg6[%dma_start3A_259, %dma_start3A_260] : memref<8x80xi32, #tpu.memory_space<vmem>> -> memref<1x80xi32, #tpu.memory_space<vmem>>
    %dma_start3A_262 = tpu.memref_squeeze %dma_start3A_261 : memref<1x80xi32, #tpu.memory_space<vmem>> -> memref<80xi32, #tpu.memory_space<vmem>>
    %dma_start3A_263 = arith.constant 0 : i32
    %dma_start3A_264 = arith.constant 0 : i32
    %dma_start3A_265 = tpu.memref_slice %arg2[%dma_start3A_263, %dma_start3A_264] : memref<10000x128xf32, #tpu.memory_space<hbm>> -> memref<10000x128xf32, #tpu.memory_space<hbm>>
    tpu.enqueue_indirect_dma source(%dma_start3A_265 : memref<10000x128xf32, #tpu.memory_space<hbm>>) target(%arg10 : memref<80x128xf32, #tpu.memory_space<vmem>>) offsets(%dma_start3A_262 : memref<80xi32, #tpu.memory_space<vmem>>) semaphore(%arg15 : memref<!tpu.dma_semaphore, #tpu.memory_space<semaphore_mem>>)
    %add3A_266 = arith.constant 240 : i32
    %add3A_267 = arith.addi %mul3A_4, %add3A_266 : i32
    %dma_wait3A_268 = arith.constant 6 : i32
    %dma_wait3A_269 = arith.constant 0 : i32
    %dma_wait3A_270 = tpu.memref_slice %arg6[%dma_wait3A_268, %dma_wait3A_269] : memref<8x80xi32, #tpu.memory_space<vmem>> -> memref<1x80xi32, #tpu.memory_space<vmem>>
    %dma_wait3A_271 = tpu.memref_squeeze %dma_wait3A_270 : memref<1x80xi32, #tpu.memory_space<vmem>> -> memref<80xi32, #tpu.memory_space<vmem>>
    %dma_wait3A_272 = tpu.memref_slice %arg3[%add3A_267] : memref<640000xi32, #tpu.memory_space<hbm>> -> memref<80xi32, #tpu.memory_space<hbm>>
    %dma_wait3A_273 = arith.constant 0 : i32
    %dma_wait3A_274 = tpu.memref_slice %arg6[%dma_wait3A_268, %dma_wait3A_273] : memref<8x80xi32, #tpu.memory_space<vmem>> -> memref<1x80xi32, #tpu.memory_space<vmem>>
    %dma_wait3A_275 = tpu.memref_squeeze %dma_wait3A_274 : memref<1x80xi32, #tpu.memory_space<vmem>> -> memref<80xi32, #tpu.memory_space<vmem>>
    %dma_wait3A_276 = tpu.memref_slice %arg3[%add3A_267] : memref<640000xi32, #tpu.memory_space<hbm>> -> memref<80xi32, #tpu.memory_space<hbm>>
    tpu.wait_dma2 semaphore(%arg23 : memref<!tpu.dma_semaphore, #tpu.memory_space<semaphore_mem>>) src(%dma_wait3A_276 : memref<80xi32, #tpu.memory_space<hbm>>) dst(%dma_wait3A_275 : memref<80xi32, #tpu.memory_space<vmem>>)
    %add3A_277 = arith.constant 320000 : i32
    %add3A_278 = arith.addi %add3A_277, %add3A_267 : i32
    %dma_wait3A_279 = arith.constant 6 : i32
    %dma_wait3A_280 = arith.constant 0 : i32
    %dma_wait3A_281 = tpu.memref_slice %arg7[%dma_wait3A_279, %dma_wait3A_280] : memref<8x80xi32, #tpu.memory_space<vmem>> -> memref<1x80xi32, #tpu.memory_space<vmem>>
    %dma_wait3A_282 = tpu.memref_squeeze %dma_wait3A_281 : memref<1x80xi32, #tpu.memory_space<vmem>> -> memref<80xi32, #tpu.memory_space<vmem>>
    %dma_wait3A_283 = tpu.memref_slice %arg3[%add3A_278] : memref<640000xi32, #tpu.memory_space<hbm>> -> memref<80xi32, #tpu.memory_space<hbm>>
    %dma_wait3A_284 = arith.constant 0 : i32
    %dma_wait3A_285 = tpu.memref_slice %arg7[%dma_wait3A_279, %dma_wait3A_284] : memref<8x80xi32, #tpu.memory_space<vmem>> -> memref<1x80xi32, #tpu.memory_space<vmem>>
    %dma_wait3A_286 = tpu.memref_squeeze %dma_wait3A_285 : memref<1x80xi32, #tpu.memory_space<vmem>> -> memref<80xi32, #tpu.memory_space<vmem>>
    %dma_wait3A_287 = tpu.memref_slice %arg3[%add3A_278] : memref<640000xi32, #tpu.memory_space<hbm>> -> memref<80xi32, #tpu.memory_space<hbm>>
    tpu.wait_dma2 semaphore(%arg23 : memref<!tpu.dma_semaphore, #tpu.memory_space<semaphore_mem>>) src(%dma_wait3A_287 : memref<80xi32, #tpu.memory_space<hbm>>) dst(%dma_wait3A_286 : memref<80xi32, #tpu.memory_space<vmem>>)
    %dma_start3A_288 = arith.constant 6 : i32
    %dma_start3A_289 = arith.constant 0 : i32
    %dma_start3A_290 = tpu.memref_slice %arg6[%dma_start3A_288, %dma_start3A_289] : memref<8x80xi32, #tpu.memory_space<vmem>> -> memref<1x80xi32, #tpu.memory_space<vmem>>
    %dma_start3A_291 = tpu.memref_squeeze %dma_start3A_290 : memref<1x80xi32, #tpu.memory_space<vmem>> -> memref<80xi32, #tpu.memory_space<vmem>>
    %dma_start3A_292 = arith.constant 0 : i32
    %dma_start3A_293 = arith.constant 0 : i32
    %dma_start3A_294 = tpu.memref_slice %arg2[%dma_start3A_292, %dma_start3A_293] : memref<10000x128xf32, #tpu.memory_space<hbm>> -> memref<10000x128xf32, #tpu.memory_space<hbm>>
    tpu.enqueue_indirect_dma source(%dma_start3A_294 : memref<10000x128xf32, #tpu.memory_space<hbm>>) target(%arg11 : memref<80x128xf32, #tpu.memory_space<vmem>>) offsets(%dma_start3A_291 : memref<80xi32, #tpu.memory_space<vmem>>) semaphore(%arg16 : memref<!tpu.dma_semaphore, #tpu.memory_space<semaphore_mem>>)
    %barrier3A = arith.constant 0 : index
    tpu.barrier barrier_id(%barrier3A)
    %scan3A = arith.constant 0 : i32
    %scan3A_295 = arith.constant 0 : i32
    %scan3A_296 = arith.constant 15 : i32
    %scan3A_297 = arith.addi %scan3A_295, %scan3A_296 : i32
    %scan3A_298 = arith.constant 1 : i32
    scf.for %scan3A_375 = %scan3A_295 to %scan3A_297 step %scan3A_298  : i32 {
      %mul3A_376 = arith.constant 2 : i32
      %mul3A_377 = arith.muli %scan3A_375, %mul3A_376 : i32
      %add3A_378 = arith.constant 0 : i32
      %add3A_379 = arith.addi %mul3A_377, %add3A_378 : i32
      %mul3A_380 = arith.constant 4 : i32
      %mul3A_381 = arith.muli %add3A_379, %mul3A_380 : i32
      %add3A_382 = arith.constant 0 : i32
      %add3A_383 = arith.addi %mul3A_381, %add3A_382 : i32
      %dma_wait3A_384 = arith.constant 0 : i32
      %dma_wait3A_385 = arith.constant 0 : i32
      %dma_wait3A_386 = tpu.memref_slice %arg6[%dma_wait3A_384, %dma_wait3A_385] : memref<8x80xi32, #tpu.memory_space<vmem>> -> memref<1x80xi32, #tpu.memory_space<vmem>>
      %dma_wait3A_387 = tpu.memref_squeeze %dma_wait3A_386 : memref<1x80xi32, #tpu.memory_space<vmem>> -> memref<80xi32, #tpu.memory_space<vmem>>
      %dma_wait3A_388 = arith.constant 0 : i32
      %dma_wait3A_389 = arith.constant 0 : i32
      %dma_wait3A_390 = tpu.memref_slice %arg2[%dma_wait3A_388, %dma_wait3A_389] : memref<10000x128xf32, #tpu.memory_space<hbm>> -> memref<10000x128xf32, #tpu.memory_space<hbm>>
      tpu.wait_indirect_dma semaphore(%arg13 : memref<!tpu.dma_semaphore, #tpu.memory_space<semaphore_mem>>) src(%dma_wait3A_390 : memref<10000x128xf32, #tpu.memory_space<hbm>>) dst(%arg8 : memref<80x128xf32, #tpu.memory_space<vmem>>)
      %run_scoped3A_391 = arith.constant 0 : i32
      "tpu.region"() ({
        %run_scoped3A_616 = tpu.sem_alloc : memref<!tpu.dma_semaphore, #tpu.memory_space<semaphore_mem>>
        %dma_start3A_617 = arith.constant 0 : i32
        %dma_start3A_618 = tpu.memref_slice %arg7[%run_scoped3A_391, %dma_start3A_617] : memref<8x80xi32, #tpu.memory_space<vmem>> -> memref<1x80xi32, #tpu.memory_space<vmem>>
        %dma_start3A_619 = tpu.memref_squeeze %dma_start3A_618 : memref<1x80xi32, #tpu.memory_space<vmem>> -> memref<80xi32, #tpu.memory_space<vmem>>
        %dma_start3A_620 = arith.constant 0 : i32
        %dma_start3A_621 = arith.constant 0 : i32
        %dma_start3A_622 = tpu.memref_slice %arg12[%dma_start3A_620, %dma_start3A_621] : memref<10240x128xf32, #tpu.memory_space<vmem_shared>> -> memref<10240x128xf32, #tpu.memory_space<vmem_shared>>
        tpu.enqueue_indirect_dma source(%arg8 : memref<80x128xf32, #tpu.memory_space<vmem>>) target(%dma_start3A_622 : memref<10240x128xf32, #tpu.memory_space<vmem_shared>>) offsets(%dma_start3A_619 : memref<80xi32, #tpu.memory_space<vmem>>) semaphore(%run_scoped3A_616 : memref<!tpu.dma_semaphore, #tpu.memory_space<semaphore_mem>>) {add = true}
        %dma_wait3A_623 = arith.constant 0 : i32
        %dma_wait3A_624 = tpu.memref_slice %arg7[%run_scoped3A_391, %dma_wait3A_623] : memref<8x80xi32, #tpu.memory_space<vmem>> -> memref<1x80xi32, #tpu.memory_space<vmem>>
        %dma_wait3A_625 = tpu.memref_squeeze %dma_wait3A_624 : memref<1x80xi32, #tpu.memory_space<vmem>> -> memref<80xi32, #tpu.memory_space<vmem>>
        %dma_wait3A_626 = arith.constant 0 : i32
        %dma_wait3A_627 = arith.constant 0 : i32
        %dma_wait3A_628 = tpu.memref_slice %arg12[%dma_wait3A_626, %dma_wait3A_627] : memref<10240x128xf32, #tpu.memory_space<vmem_shared>> -> memref<10240x128xf32, #tpu.memory_space<vmem_shared>>
        tpu.wait_indirect_dma semaphore(%run_scoped3A_616 : memref<!tpu.dma_semaphore, #tpu.memory_space<semaphore_mem>>) src(%arg8 : memref<80x128xf32, #tpu.memory_space<vmem>>) dst(%dma_wait3A_628 : memref<10240x128xf32, #tpu.memory_space<vmem_shared>>)
        tpu.yield
      }) : () -> ()
      %add3A_392 = arith.constant 4 : i32
      %add3A_393 = arith.addi %add3A_383, %add3A_392 : i32
      %lt3A_394 = arith.constant 125 : i32
      %lt3A_395 = arith.cmpi slt, %add3A_393, %lt3A_394 : i32
      %convert_element_type3A_396 = arith.extui %lt3A_395 : i1 to i32
      %cond3A_397 = arith.constant 0 : i32
      %cond3A_398 = arith.cmpi ne, %convert_element_type3A_396, %cond3A_397 : i32
      scf.if %cond3A_398 {
        %add3A_616 = arith.constant 4 : i32
        %add3A_617 = arith.addi %add3A_383, %add3A_616 : i32
        %mul3A_618 = arith.constant 80 : i32
        %mul3A_619 = arith.muli %add3A_617, %mul3A_618 : i32
        %add3A_620 = arith.addi %mul3A_4, %mul3A_619 : i32
        %dma_wait3A_621 = arith.constant 1 : i32
        %dma_wait3A_622 = arith.constant 0 : i32
        %dma_wait3A_623 = tpu.memref_slice %arg6[%dma_wait3A_621, %dma_wait3A_622] : memref<8x80xi32, #tpu.memory_space<vmem>> -> memref<1x80xi32, #tpu.memory_space<vmem>>
        %dma_wait3A_624 = tpu.memref_squeeze %dma_wait3A_623 : memref<1x80xi32, #tpu.memory_space<vmem>> -> memref<80xi32, #tpu.memory_space<vmem>>
        %dma_wait3A_625 = tpu.memref_slice %arg3[%add3A_620] : memref<640000xi32, #tpu.memory_space<hbm>> -> memref<80xi32, #tpu.memory_space<hbm>>
        %dma_wait3A_626 = arith.constant 0 : i32
        %dma_wait3A_627 = tpu.memref_slice %arg6[%dma_wait3A_621, %dma_wait3A_626] : memref<8x80xi32, #tpu.memory_space<vmem>> -> memref<1x80xi32, #tpu.memory_space<vmem>>
        %dma_wait3A_628 = tpu.memref_squeeze %dma_wait3A_627 : memref<1x80xi32, #tpu.memory_space<vmem>> -> memref<80xi32, #tpu.memory_space<vmem>>
        %dma_wait3A_629 = tpu.memref_slice %arg3[%add3A_620] : memref<640000xi32, #tpu.memory_space<hbm>> -> memref<80xi32, #tpu.memory_space<hbm>>
        tpu.wait_dma2 semaphore(%arg18 : memref<!tpu.dma_semaphore, #tpu.memory_space<semaphore_mem>>) src(%dma_wait3A_629 : memref<80xi32, #tpu.memory_space<hbm>>) dst(%dma_wait3A_628 : memref<80xi32, #tpu.memory_space<vmem>>)
        %add3A_630 = arith.constant 320000 : i32
        %add3A_631 = arith.addi %add3A_630, %add3A_620 : i32
        %dma_wait3A_632 = arith.constant 1 : i32
        %dma_wait3A_633 = arith.constant 0 : i32
        %dma_wait3A_634 = tpu.memref_slice %arg7[%dma_wait3A_632, %dma_wait3A_633] : memref<8x80xi32, #tpu.memory_space<vmem>> -> memref<1x80xi32, #tpu.memory_space<vmem>>
        %dma_wait3A_635 = tpu.memref_squeeze %dma_wait3A_634 : memref<1x80xi32, #tpu.memory_space<vmem>> -> memref<80xi32, #tpu.memory_space<vmem>>
        %dma_wait3A_636 = tpu.memref_slice %arg3[%add3A_631] : memref<640000xi32, #tpu.memory_space<hbm>> -> memref<80xi32, #tpu.memory_space<hbm>>
        %dma_wait3A_637 = arith.constant 0 : i32
        %dma_wait3A_638 = tpu.memref_slice %arg7[%dma_wait3A_632, %dma_wait3A_637] : memref<8x80xi32, #tpu.memory_space<vmem>> -> memref<1x80xi32, #tpu.memory_space<vmem>>
        %dma_wait3A_639 = tpu.memref_squeeze %dma_wait3A_638 : memref<1x80xi32, #tpu.memory_space<vmem>> -> memref<80xi32, #tpu.memory_space<vmem>>
        %dma_wait3A_640 = tpu.memref_slice %arg3[%add3A_631] : memref<640000xi32, #tpu.memory_space<hbm>> -> memref<80xi32, #tpu.memory_space<hbm>>
        tpu.wait_dma2 semaphore(%arg18 : memref<!tpu.dma_semaphore, #tpu.memory_space<semaphore_mem>>) src(%dma_wait3A_640 : memref<80xi32, #tpu.memory_space<hbm>>) dst(%dma_wait3A_639 : memref<80xi32, #tpu.memory_space<vmem>>)
        %dma_start3A_641 = arith.constant 1 : i32
        %dma_start3A_642 = arith.constant 0 : i32
        %dma_start3A_643 = tpu.memref_slice %arg6[%dma_start3A_641, %dma_start3A_642] : memref<8x80xi32, #tpu.memory_space<vmem>> -> memref<1x80xi32, #tpu.memory_space<vmem>>
        %dma_start3A_644 = tpu.memref_squeeze %dma_start3A_643 : memref<1x80xi32, #tpu.memory_space<vmem>> -> memref<80xi32, #tpu.memory_space<vmem>>
        %dma_start3A_645 = arith.constant 0 : i32
        %dma_start3A_646 = arith.constant 0 : i32
        %dma_start3A_647 = tpu.memref_slice %arg2[%dma_start3A_645, %dma_start3A_646] : memref<10000x128xf32, #tpu.memory_space<hbm>> -> memref<10000x128xf32, #tpu.memory_space<hbm>>
        tpu.enqueue_indirect_dma source(%dma_start3A_647 : memref<10000x128xf32, #tpu.memory_space<hbm>>) target(%arg8 : memref<80x128xf32, #tpu.memory_space<vmem>>) offsets(%dma_start3A_644 : memref<80xi32, #tpu.memory_space<vmem>>) semaphore(%arg13 : memref<!tpu.dma_semaphore, #tpu.memory_space<semaphore_mem>>)
      } else {
      }
      %add3A_399 = arith.constant 8 : i32
      %add3A_400 = arith.addi %add3A_383, %add3A_399 : i32
      %lt3A_401 = arith.constant 125 : i32
      %lt3A_402 = arith.cmpi slt, %add3A_400, %lt3A_401 : i32
      %convert_element_type3A_403 = arith.extui %lt3A_402 : i1 to i32
      %cond3A_404 = arith.constant 0 : i32
      %cond3A_405 = arith.cmpi ne, %convert_element_type3A_403, %cond3A_404 : i32
      scf.if %cond3A_405 {
        %add3A_616 = arith.constant 8 : i32
        %add3A_617 = arith.addi %add3A_383, %add3A_616 : i32
        %mul3A_618 = arith.constant 80 : i32
        %mul3A_619 = arith.muli %add3A_617, %mul3A_618 : i32
        %add3A_620 = arith.addi %mul3A_4, %mul3A_619 : i32
        %dma_start3A_621 = arith.constant 0 : i32
        %dma_start3A_622 = arith.constant 0 : i32
        %dma_start3A_623 = tpu.memref_slice %arg6[%dma_start3A_621, %dma_start3A_622] : memref<8x80xi32, #tpu.memory_space<vmem>> -> memref<1x80xi32, #tpu.memory_space<vmem>>
        %dma_start3A_624 = tpu.memref_squeeze %dma_start3A_623 : memref<1x80xi32, #tpu.memory_space<vmem>> -> memref<80xi32, #tpu.memory_space<vmem>>
        %dma_start3A_625 = tpu.memref_slice %arg3[%add3A_620] : memref<640000xi32, #tpu.memory_space<hbm>> -> memref<80xi32, #tpu.memory_space<hbm>>
        %dma_start3A_626 = arith.constant 0 : i32
        %dma_start3A_627 = tpu.memref_slice %arg6[%dma_start3A_621, %dma_start3A_626] : memref<8x80xi32, #tpu.memory_space<vmem>> -> memref<1x80xi32, #tpu.memory_space<vmem>>
        %dma_start3A_628 = tpu.memref_squeeze %dma_start3A_627 : memref<1x80xi32, #tpu.memory_space<vmem>> -> memref<80xi32, #tpu.memory_space<vmem>>
        %dma_start3A_629 = tpu.memref_slice %arg3[%add3A_620] : memref<640000xi32, #tpu.memory_space<hbm>> -> memref<80xi32, #tpu.memory_space<hbm>>
        tpu.enqueue_dma source(%dma_start3A_629 : memref<80xi32, #tpu.memory_space<hbm>>) target(%dma_start3A_628 : memref<80xi32, #tpu.memory_space<vmem>>) target_semaphore(%arg17 : memref<!tpu.dma_semaphore, #tpu.memory_space<semaphore_mem>>)
        %add3A_630 = arith.constant 320000 : i32
        %add3A_631 = arith.addi %add3A_630, %add3A_620 : i32
        %dma_start3A_632 = arith.constant 0 : i32
        %dma_start3A_633 = arith.constant 0 : i32
        %dma_start3A_634 = tpu.memref_slice %arg7[%dma_start3A_632, %dma_start3A_633] : memref<8x80xi32, #tpu.memory_space<vmem>> -> memref<1x80xi32, #tpu.memory_space<vmem>>
        %dma_start3A_635 = tpu.memref_squeeze %dma_start3A_634 : memref<1x80xi32, #tpu.memory_space<vmem>> -> memref<80xi32, #tpu.memory_space<vmem>>
        %dma_start3A_636 = tpu.memref_slice %arg3[%add3A_631] : memref<640000xi32, #tpu.memory_space<hbm>> -> memref<80xi32, #tpu.memory_space<hbm>>
        %dma_start3A_637 = arith.constant 0 : i32
        %dma_start3A_638 = tpu.memref_slice %arg7[%dma_start3A_632, %dma_start3A_637] : memref<8x80xi32, #tpu.memory_space<vmem>> -> memref<1x80xi32, #tpu.memory_space<vmem>>
        %dma_start3A_639 = tpu.memref_squeeze %dma_start3A_638 : memref<1x80xi32, #tpu.memory_space<vmem>> -> memref<80xi32, #tpu.memory_space<vmem>>
        %dma_start3A_640 = tpu.memref_slice %arg3[%add3A_631] : memref<640000xi32, #tpu.memory_space<hbm>> -> memref<80xi32, #tpu.memory_space<hbm>>
        tpu.enqueue_dma source(%dma_start3A_640 : memref<80xi32, #tpu.memory_space<hbm>>) target(%dma_start3A_639 : memref<80xi32, #tpu.memory_space<vmem>>) target_semaphore(%arg17 : memref<!tpu.dma_semaphore, #tpu.memory_space<semaphore_mem>>)
      } else {
      }
      %mul3A_406 = arith.constant 2 : i32
      %mul3A_407 = arith.muli %scan3A_375, %mul3A_406 : i32
      %add3A_408 = arith.constant 0 : i32
      %add3A_409 = arith.addi %mul3A_407, %add3A_408 : i32
      %mul3A_410 = arith.constant 4 : i32
      %mul3A_411 = arith.muli %add3A_409, %mul3A_410 : i32
      %add3A_412 = arith.constant 1 : i32
      %add3A_413 = arith.addi %mul3A_411, %add3A_412 : i32
      %dma_wait3A_414 = arith.constant 2 : i32
      %dma_wait3A_415 = arith.constant 0 : i32
      %dma_wait3A_416 = tpu.memref_slice %arg6[%dma_wait3A_414, %dma_wait3A_415] : memref<8x80xi32, #tpu.memory_space<vmem>> -> memref<1x80xi32, #tpu.memory_space<vmem>>
      %dma_wait3A_417 = tpu.memref_squeeze %dma_wait3A_416 : memref<1x80xi32, #tpu.memory_space<vmem>> -> memref<80xi32, #tpu.memory_space<vmem>>
      %dma_wait3A_418 = arith.constant 0 : i32
      %dma_wait3A_419 = arith.constant 0 : i32
      %dma_wait3A_420 = tpu.memref_slice %arg2[%dma_wait3A_418, %dma_wait3A_419] : memref<10000x128xf32, #tpu.memory_space<hbm>> -> memref<10000x128xf32, #tpu.memory_space<hbm>>
      tpu.wait_indirect_dma semaphore(%arg14 : memref<!tpu.dma_semaphore, #tpu.memory_space<semaphore_mem>>) src(%dma_wait3A_420 : memref<10000x128xf32, #tpu.memory_space<hbm>>) dst(%arg9 : memref<80x128xf32, #tpu.memory_space<vmem>>)
      %run_scoped3A_421 = arith.constant 2 : i32
      "tpu.region"() ({
        %run_scoped3A_616 = tpu.sem_alloc : memref<!tpu.dma_semaphore, #tpu.memory_space<semaphore_mem>>
        %dma_start3A_617 = arith.constant 0 : i32
        %dma_start3A_618 = tpu.memref_slice %arg7[%run_scoped3A_421, %dma_start3A_617] : memref<8x80xi32, #tpu.memory_space<vmem>> -> memref<1x80xi32, #tpu.memory_space<vmem>>
        %dma_start3A_619 = tpu.memref_squeeze %dma_start3A_618 : memref<1x80xi32, #tpu.memory_space<vmem>> -> memref<80xi32, #tpu.memory_space<vmem>>
        %dma_start3A_620 = arith.constant 0 : i32
        %dma_start3A_621 = arith.constant 0 : i32
        %dma_start3A_622 = tpu.memref_slice %arg12[%dma_start3A_620, %dma_start3A_621] : memref<10240x128xf32, #tpu.memory_space<vmem_shared>> -> memref<10240x128xf32, #tpu.memory_space<vmem_shared>>
        tpu.enqueue_indirect_dma source(%arg9 : memref<80x128xf32, #tpu.memory_space<vmem>>) target(%dma_start3A_622 : memref<10240x128xf32, #tpu.memory_space<vmem_shared>>) offsets(%dma_start3A_619 : memref<80xi32, #tpu.memory_space<vmem>>) semaphore(%run_scoped3A_616 : memref<!tpu.dma_semaphore, #tpu.memory_space<semaphore_mem>>) {add = true}
        %dma_wait3A_623 = arith.constant 0 : i32
        %dma_wait3A_624 = tpu.memref_slice %arg7[%run_scoped3A_421, %dma_wait3A_623] : memref<8x80xi32, #tpu.memory_space<vmem>> -> memref<1x80xi32, #tpu.memory_space<vmem>>
        %dma_wait3A_625 = tpu.memref_squeeze %dma_wait3A_624 : memref<1x80xi32, #tpu.memory_space<vmem>> -> memref<80xi32, #tpu.memory_space<vmem>>
        %dma_wait3A_626 = arith.constant 0 : i32
        %dma_wait3A_627 = arith.constant 0 : i32
        %dma_wait3A_628 = tpu.memref_slice %arg12[%dma_wait3A_626, %dma_wait3A_627] : memref<10240x128xf32, #tpu.memory_space<vmem_shared>> -> memref<10240x128xf32, #tpu.memory_space<vmem_shared>>
        tpu.wait_indirect_dma semaphore(%run_scoped3A_616 : memref<!tpu.dma_semaphore, #tpu.memory_space<semaphore_mem>>) src(%arg9 : memref<80x128xf32, #tpu.memory_space<vmem>>) dst(%dma_wait3A_628 : memref<10240x128xf32, #tpu.memory_space<vmem_shared>>)
        tpu.yield
      }) : () -> ()
      %add3A_422 = arith.constant 4 : i32
      %add3A_423 = arith.addi %add3A_413, %add3A_422 : i32
      %lt3A_424 = arith.constant 125 : i32
      %lt3A_425 = arith.cmpi slt, %add3A_423, %lt3A_424 : i32
      %convert_element_type3A_426 = arith.extui %lt3A_425 : i1 to i32
      %cond3A_427 = arith.constant 0 : i32
      %cond3A_428 = arith.cmpi ne, %convert_element_type3A_426, %cond3A_427 : i32
      scf.if %cond3A_428 {
        %add3A_616 = arith.constant 4 : i32
        %add3A_617 = arith.addi %add3A_413, %add3A_616 : i32
        %mul3A_618 = arith.constant 80 : i32
        %mul3A_619 = arith.muli %add3A_617, %mul3A_618 : i32
        %add3A_620 = arith.addi %mul3A_4, %mul3A_619 : i32
        %dma_wait3A_621 = arith.constant 3 : i32
        %dma_wait3A_622 = arith.constant 0 : i32
        %dma_wait3A_623 = tpu.memref_slice %arg6[%dma_wait3A_621, %dma_wait3A_622] : memref<8x80xi32, #tpu.memory_space<vmem>> -> memref<1x80xi32, #tpu.memory_space<vmem>>
        %dma_wait3A_624 = tpu.memref_squeeze %dma_wait3A_623 : memref<1x80xi32, #tpu.memory_space<vmem>> -> memref<80xi32, #tpu.memory_space<vmem>>
        %dma_wait3A_625 = tpu.memref_slice %arg3[%add3A_620] : memref<640000xi32, #tpu.memory_space<hbm>> -> memref<80xi32, #tpu.memory_space<hbm>>
        %dma_wait3A_626 = arith.constant 0 : i32
        %dma_wait3A_627 = tpu.memref_slice %arg6[%dma_wait3A_621, %dma_wait3A_626] : memref<8x80xi32, #tpu.memory_space<vmem>> -> memref<1x80xi32, #tpu.memory_space<vmem>>
        %dma_wait3A_628 = tpu.memref_squeeze %dma_wait3A_627 : memref<1x80xi32, #tpu.memory_space<vmem>> -> memref<80xi32, #tpu.memory_space<vmem>>
        %dma_wait3A_629 = tpu.memref_slice %arg3[%add3A_620] : memref<640000xi32, #tpu.memory_space<hbm>> -> memref<80xi32, #tpu.memory_space<hbm>>
        tpu.wait_dma2 semaphore(%arg20 : memref<!tpu.dma_semaphore, #tpu.memory_space<semaphore_mem>>) src(%dma_wait3A_629 : memref<80xi32, #tpu.memory_space<hbm>>) dst(%dma_wait3A_628 : memref<80xi32, #tpu.memory_space<vmem>>)
        %add3A_630 = arith.constant 320000 : i32
        %add3A_631 = arith.addi %add3A_630, %add3A_620 : i32
        %dma_wait3A_632 = arith.constant 3 : i32
        %dma_wait3A_633 = arith.constant 0 : i32
        %dma_wait3A_634 = tpu.memref_slice %arg7[%dma_wait3A_632, %dma_wait3A_633] : memref<8x80xi32, #tpu.memory_space<vmem>> -> memref<1x80xi32, #tpu.memory_space<vmem>>
        %dma_wait3A_635 = tpu.memref_squeeze %dma_wait3A_634 : memref<1x80xi32, #tpu.memory_space<vmem>> -> memref<80xi32, #tpu.memory_space<vmem>>
        %dma_wait3A_636 = tpu.memref_slice %arg3[%add3A_631] : memref<640000xi32, #tpu.memory_space<hbm>> -> memref<80xi32, #tpu.memory_space<hbm>>
        %dma_wait3A_637 = arith.constant 0 : i32
        %dma_wait3A_638 = tpu.memref_slice %arg7[%dma_wait3A_632, %dma_wait3A_637] : memref<8x80xi32, #tpu.memory_space<vmem>> -> memref<1x80xi32, #tpu.memory_space<vmem>>
        %dma_wait3A_639 = tpu.memref_squeeze %dma_wait3A_638 : memref<1x80xi32, #tpu.memory_space<vmem>> -> memref<80xi32, #tpu.memory_space<vmem>>
        %dma_wait3A_640 = tpu.memref_slice %arg3[%add3A_631] : memref<640000xi32, #tpu.memory_space<hbm>> -> memref<80xi32, #tpu.memory_space<hbm>>
        tpu.wait_dma2 semaphore(%arg20 : memref<!tpu.dma_semaphore, #tpu.memory_space<semaphore_mem>>) src(%dma_wait3A_640 : memref<80xi32, #tpu.memory_space<hbm>>) dst(%dma_wait3A_639 : memref<80xi32, #tpu.memory_space<vmem>>)
        %dma_start3A_641 = arith.constant 3 : i32
        %dma_start3A_642 = arith.constant 0 : i32
        %dma_start3A_643 = tpu.memref_slice %arg6[%dma_start3A_641, %dma_start3A_642] : memref<8x80xi32, #tpu.memory_space<vmem>> -> memref<1x80xi32, #tpu.memory_space<vmem>>
        %dma_start3A_644 = tpu.memref_squeeze %dma_start3A_643 : memref<1x80xi32, #tpu.memory_space<vmem>> -> memref<80xi32, #tpu.memory_space<vmem>>
        %dma_start3A_645 = arith.constant 0 : i32
        %dma_start3A_646 = arith.constant 0 : i32
        %dma_start3A_647 = tpu.memref_slice %arg2[%dma_start3A_645, %dma_start3A_646] : memref<10000x128xf32, #tpu.memory_space<hbm>> -> memref<10000x128xf32, #tpu.memory_space<hbm>>
        tpu.enqueue_indirect_dma source(%dma_start3A_647 : memref<10000x128xf32, #tpu.memory_space<hbm>>) target(%arg9 : memref<80x128xf32, #tpu.memory_space<vmem>>) offsets(%dma_start3A_644 : memref<80xi32, #tpu.memory_space<vmem>>) semaphore(%arg14 : memref<!tpu.dma_semaphore, #tpu.memory_space<semaphore_mem>>)
      } else {
      }
      %add3A_429 = arith.constant 8 : i32
      %add3A_430 = arith.addi %add3A_413, %add3A_429 : i32
      %lt3A_431 = arith.constant 125 : i32
      %lt3A_432 = arith.cmpi slt, %add3A_430, %lt3A_431 : i32
      %convert_element_type3A_433 = arith.extui %lt3A_432 : i1 to i32
      %cond3A_434 = arith.constant 0 : i32
      %cond3A_435 = arith.cmpi ne, %convert_element_type3A_433, %cond3A_434 : i32
      scf.if %cond3A_435 {
        %add3A_616 = arith.constant 8 : i32
        %add3A_617 = arith.addi %add3A_413, %add3A_616 : i32
        %mul3A_618 = arith.constant 80 : i32
        %mul3A_619 = arith.muli %add3A_617, %mul3A_618 : i32
        %add3A_620 = arith.addi %mul3A_4, %mul3A_619 : i32
        %dma_start3A_621 = arith.constant 2 : i32
        %dma_start3A_622 = arith.constant 0 : i32
        %dma_start3A_623 = tpu.memref_slice %arg6[%dma_start3A_621, %dma_start3A_622] : memref<8x80xi32, #tpu.memory_space<vmem>> -> memref<1x80xi32, #tpu.memory_space<vmem>>
        %dma_start3A_624 = tpu.memref_squeeze %dma_start3A_623 : memref<1x80xi32, #tpu.memory_space<vmem>> -> memref<80xi32, #tpu.memory_space<vmem>>
        %dma_start3A_625 = tpu.memref_slice %arg3[%add3A_620] : memref<640000xi32, #tpu.memory_space<hbm>> -> memref<80xi32, #tpu.memory_space<hbm>>
        %dma_start3A_626 = arith.constant 0 : i32
        %dma_start3A_627 = tpu.memref_slice %arg6[%dma_start3A_621, %dma_start3A_626] : memref<8x80xi32, #tpu.memory_space<vmem>> -> memref<1x80xi32, #tpu.memory_space<vmem>>
        %dma_start3A_628 = tpu.memref_squeeze %dma_start3A_627 : memref<1x80xi32, #tpu.memory_space<vmem>> -> memref<80xi32, #tpu.memory_space<vmem>>
        %dma_start3A_629 = tpu.memref_slice %arg3[%add3A_620] : memref<640000xi32, #tpu.memory_space<hbm>> -> memref<80xi32, #tpu.memory_space<hbm>>
        tpu.enqueue_dma source(%dma_start3A_629 : memref<80xi32, #tpu.memory_space<hbm>>) target(%dma_start3A_628 : memref<80xi32, #tpu.memory_space<vmem>>) target_semaphore(%arg19 : memref<!tpu.dma_semaphore, #tpu.memory_space<semaphore_mem>>)
        %add3A_630 = arith.constant 320000 : i32
        %add3A_631 = arith.addi %add3A_630, %add3A_620 : i32
        %dma_start3A_632 = arith.constant 2 : i32
        %dma_start3A_633 = arith.constant 0 : i32
        %dma_start3A_634 = tpu.memref_slice %arg7[%dma_start3A_632, %dma_start3A_633] : memref<8x80xi32, #tpu.memory_space<vmem>> -> memref<1x80xi32, #tpu.memory_space<vmem>>
        %dma_start3A_635 = tpu.memref_squeeze %dma_start3A_634 : memref<1x80xi32, #tpu.memory_space<vmem>> -> memref<80xi32, #tpu.memory_space<vmem>>
        %dma_start3A_636 = tpu.memref_slice %arg3[%add3A_631] : memref<640000xi32, #tpu.memory_space<hbm>> -> memref<80xi32, #tpu.memory_space<hbm>>
        %dma_start3A_637 = arith.constant 0 : i32
        %dma_start3A_638 = tpu.memref_slice %arg7[%dma_start3A_632, %dma_start3A_637] : memref<8x80xi32, #tpu.memory_space<vmem>> -> memref<1x80xi32, #tpu.memory_space<vmem>>
        %dma_start3A_639 = tpu.memref_squeeze %dma_start3A_638 : memref<1x80xi32, #tpu.memory_space<vmem>> -> memref<80xi32, #tpu.memory_space<vmem>>
        %dma_start3A_640 = tpu.memref_slice %arg3[%add3A_631] : memref<640000xi32, #tpu.memory_space<hbm>> -> memref<80xi32, #tpu.memory_space<hbm>>
        tpu.enqueue_dma source(%dma_start3A_640 : memref<80xi32, #tpu.memory_space<hbm>>) target(%dma_start3A_639 : memref<80xi32, #tpu.memory_space<vmem>>) target_semaphore(%arg19 : memref<!tpu.dma_semaphore, #tpu.memory_space<semaphore_mem>>)
      } else {
      }
      %mul3A_436 = arith.constant 2 : i32
      %mul3A_437 = arith.muli %scan3A_375, %mul3A_436 : i32
      %add3A_438 = arith.constant 0 : i32
      %add3A_439 = arith.addi %mul3A_437, %add3A_438 : i32
      %mul3A_440 = arith.constant 4 : i32
      %mul3A_441 = arith.muli %add3A_439, %mul3A_440 : i32
      %add3A_442 = arith.constant 2 : i32
      %add3A_443 = arith.addi %mul3A_441, %add3A_442 : i32
      %dma_wait3A_444 = arith.constant 4 : i32
      %dma_wait3A_445 = arith.constant 0 : i32
      %dma_wait3A_446 = tpu.memref_slice %arg6[%dma_wait3A_444, %dma_wait3A_445] : memref<8x80xi32, #tpu.memory_space<vmem>> -> memref<1x80xi32, #tpu.memory_space<vmem>>
      %dma_wait3A_447 = tpu.memref_squeeze %dma_wait3A_446 : memref<1x80xi32, #tpu.memory_space<vmem>> -> memref<80xi32, #tpu.memory_space<vmem>>
      %dma_wait3A_448 = arith.constant 0 : i32
      %dma_wait3A_449 = arith.constant 0 : i32
      %dma_wait3A_450 = tpu.memref_slice %arg2[%dma_wait3A_448, %dma_wait3A_449] : memref<10000x128xf32, #tpu.memory_space<hbm>> -> memref<10000x128xf32, #tpu.memory_space<hbm>>
      tpu.wait_indirect_dma semaphore(%arg15 : memref<!tpu.dma_semaphore, #tpu.memory_space<semaphore_mem>>) src(%dma_wait3A_450 : memref<10000x128xf32, #tpu.memory_space<hbm>>) dst(%arg10 : memref<80x128xf32, #tpu.memory_space<vmem>>)
      %run_scoped3A_451 = arith.constant 4 : i32
      "tpu.region"() ({
        %run_scoped3A_616 = tpu.sem_alloc : memref<!tpu.dma_semaphore, #tpu.memory_space<semaphore_mem>>
        %dma_start3A_617 = arith.constant 0 : i32
        %dma_start3A_618 = tpu.memref_slice %arg7[%run_scoped3A_451, %dma_start3A_617] : memref<8x80xi32, #tpu.memory_space<vmem>> -> memref<1x80xi32, #tpu.memory_space<vmem>>
        %dma_start3A_619 = tpu.memref_squeeze %dma_start3A_618 : memref<1x80xi32, #tpu.memory_space<vmem>> -> memref<80xi32, #tpu.memory_space<vmem>>
        %dma_start3A_620 = arith.constant 0 : i32
        %dma_start3A_621 = arith.constant 0 : i32
        %dma_start3A_622 = tpu.memref_slice %arg12[%dma_start3A_620, %dma_start3A_621] : memref<10240x128xf32, #tpu.memory_space<vmem_shared>> -> memref<10240x128xf32, #tpu.memory_space<vmem_shared>>
        tpu.enqueue_indirect_dma source(%arg10 : memref<80x128xf32, #tpu.memory_space<vmem>>) target(%dma_start3A_622 : memref<10240x128xf32, #tpu.memory_space<vmem_shared>>) offsets(%dma_start3A_619 : memref<80xi32, #tpu.memory_space<vmem>>) semaphore(%run_scoped3A_616 : memref<!tpu.dma_semaphore, #tpu.memory_space<semaphore_mem>>) {add = true}
        %dma_wait3A_623 = arith.constant 0 : i32
        %dma_wait3A_624 = tpu.memref_slice %arg7[%run_scoped3A_451, %dma_wait3A_623] : memref<8x80xi32, #tpu.memory_space<vmem>> -> memref<1x80xi32, #tpu.memory_space<vmem>>
        %dma_wait3A_625 = tpu.memref_squeeze %dma_wait3A_624 : memref<1x80xi32, #tpu.memory_space<vmem>> -> memref<80xi32, #tpu.memory_space<vmem>>
        %dma_wait3A_626 = arith.constant 0 : i32
        %dma_wait3A_627 = arith.constant 0 : i32
        %dma_wait3A_628 = tpu.memref_slice %arg12[%dma_wait3A_626, %dma_wait3A_627] : memref<10240x128xf32, #tpu.memory_space<vmem_shared>> -> memref<10240x128xf32, #tpu.memory_space<vmem_shared>>
        tpu.wait_indirect_dma semaphore(%run_scoped3A_616 : memref<!tpu.dma_semaphore, #tpu.memory_space<semaphore_mem>>) src(%arg10 : memref<80x128xf32, #tpu.memory_space<vmem>>) dst(%dma_wait3A_628 : memref<10240x128xf32, #tpu.memory_space<vmem_shared>>)
        tpu.yield
      }) : () -> ()
      %add3A_452 = arith.constant 4 : i32
      %add3A_453 = arith.addi %add3A_443, %add3A_452 : i32
      %lt3A_454 = arith.constant 125 : i32
      %lt3A_455 = arith.cmpi slt, %add3A_453, %lt3A_454 : i32
      %convert_element_type3A_456 = arith.extui %lt3A_455 : i1 to i32
      %cond3A_457 = arith.constant 0 : i32
      %cond3A_458 = arith.cmpi ne, %convert_element_type3A_456, %cond3A_457 : i32
      scf.if %cond3A_458 {
        %add3A_616 = arith.constant 4 : i32
        %add3A_617 = arith.addi %add3A_443, %add3A_616 : i32
        %mul3A_618 = arith.constant 80 : i32
        %mul3A_619 = arith.muli %add3A_617, %mul3A_618 : i32
        %add3A_620 = arith.addi %mul3A_4, %mul3A_619 : i32
        %dma_wait3A_621 = arith.constant 5 : i32
        %dma_wait3A_622 = arith.constant 0 : i32
        %dma_wait3A_623 = tpu.memref_slice %arg6[%dma_wait3A_621, %dma_wait3A_622] : memref<8x80xi32, #tpu.memory_space<vmem>> -> memref<1x80xi32, #tpu.memory_space<vmem>>
        %dma_wait3A_624 = tpu.memref_squeeze %dma_wait3A_623 : memref<1x80xi32, #tpu.memory_space<vmem>> -> memref<80xi32, #tpu.memory_space<vmem>>
        %dma_wait3A_625 = tpu.memref_slice %arg3[%add3A_620] : memref<640000xi32, #tpu.memory_space<hbm>> -> memref<80xi32, #tpu.memory_space<hbm>>
        %dma_wait3A_626 = arith.constant 0 : i32
        %dma_wait3A_627 = tpu.memref_slice %arg6[%dma_wait3A_621, %dma_wait3A_626] : memref<8x80xi32, #tpu.memory_space<vmem>> -> memref<1x80xi32, #tpu.memory_space<vmem>>
        %dma_wait3A_628 = tpu.memref_squeeze %dma_wait3A_627 : memref<1x80xi32, #tpu.memory_space<vmem>> -> memref<80xi32, #tpu.memory_space<vmem>>
        %dma_wait3A_629 = tpu.memref_slice %arg3[%add3A_620] : memref<640000xi32, #tpu.memory_space<hbm>> -> memref<80xi32, #tpu.memory_space<hbm>>
        tpu.wait_dma2 semaphore(%arg22 : memref<!tpu.dma_semaphore, #tpu.memory_space<semaphore_mem>>) src(%dma_wait3A_629 : memref<80xi32, #tpu.memory_space<hbm>>) dst(%dma_wait3A_628 : memref<80xi32, #tpu.memory_space<vmem>>)
        %add3A_630 = arith.constant 320000 : i32
        %add3A_631 = arith.addi %add3A_630, %add3A_620 : i32
        %dma_wait3A_632 = arith.constant 5 : i32
        %dma_wait3A_633 = arith.constant 0 : i32
        %dma_wait3A_634 = tpu.memref_slice %arg7[%dma_wait3A_632, %dma_wait3A_633] : memref<8x80xi32, #tpu.memory_space<vmem>> -> memref<1x80xi32, #tpu.memory_space<vmem>>
        %dma_wait3A_635 = tpu.memref_squeeze %dma_wait3A_634 : memref<1x80xi32, #tpu.memory_space<vmem>> -> memref<80xi32, #tpu.memory_space<vmem>>
        %dma_wait3A_636 = tpu.memref_slice %arg3[%add3A_631] : memref<640000xi32, #tpu.memory_space<hbm>> -> memref<80xi32, #tpu.memory_space<hbm>>
        %dma_wait3A_637 = arith.constant 0 : i32
        %dma_wait3A_638 = tpu.memref_slice %arg7[%dma_wait3A_632, %dma_wait3A_637] : memref<8x80xi32, #tpu.memory_space<vmem>> -> memref<1x80xi32, #tpu.memory_space<vmem>>
        %dma_wait3A_639 = tpu.memref_squeeze %dma_wait3A_638 : memref<1x80xi32, #tpu.memory_space<vmem>> -> memref<80xi32, #tpu.memory_space<vmem>>
        %dma_wait3A_640 = tpu.memref_slice %arg3[%add3A_631] : memref<640000xi32, #tpu.memory_space<hbm>> -> memref<80xi32, #tpu.memory_space<hbm>>
        tpu.wait_dma2 semaphore(%arg22 : memref<!tpu.dma_semaphore, #tpu.memory_space<semaphore_mem>>) src(%dma_wait3A_640 : memref<80xi32, #tpu.memory_space<hbm>>) dst(%dma_wait3A_639 : memref<80xi32, #tpu.memory_space<vmem>>)
        %dma_start3A_641 = arith.constant 5 : i32
        %dma_start3A_642 = arith.constant 0 : i32
        %dma_start3A_643 = tpu.memref_slice %arg6[%dma_start3A_641, %dma_start3A_642] : memref<8x80xi32, #tpu.memory_space<vmem>> -> memref<1x80xi32, #tpu.memory_space<vmem>>
        %dma_start3A_644 = tpu.memref_squeeze %dma_start3A_643 : memref<1x80xi32, #tpu.memory_space<vmem>> -> memref<80xi32, #tpu.memory_space<vmem>>
        %dma_start3A_645 = arith.constant 0 : i32
        %dma_start3A_646 = arith.constant 0 : i32
        %dma_start3A_647 = tpu.memref_slice %arg2[%dma_start3A_645, %dma_start3A_646] : memref<10000x128xf32, #tpu.memory_space<hbm>> -> memref<10000x128xf32, #tpu.memory_space<hbm>>
        tpu.enqueue_indirect_dma source(%dma_start3A_647 : memref<10000x128xf32, #tpu.memory_space<hbm>>) target(%arg10 : memref<80x128xf32, #tpu.memory_space<vmem>>) offsets(%dma_start3A_644 : memref<80xi32, #tpu.memory_space<vmem>>) semaphore(%arg15 : memref<!tpu.dma_semaphore, #tpu.memory_space<semaphore_mem>>)
      } else {
      }
      %add3A_459 = arith.constant 8 : i32
      %add3A_460 = arith.addi %add3A_443, %add3A_459 : i32
      %lt3A_461 = arith.constant 125 : i32
      %lt3A_462 = arith.cmpi slt, %add3A_460, %lt3A_461 : i32
      %convert_element_type3A_463 = arith.extui %lt3A_462 : i1 to i32
      %cond3A_464 = arith.constant 0 : i32
      %cond3A_465 = arith.cmpi ne, %convert_element_type3A_463, %cond3A_464 : i32
      scf.if %cond3A_465 {
        %add3A_616 = arith.constant 8 : i32
        %add3A_617 = arith.addi %add3A_443, %add3A_616 : i32
        %mul3A_618 = arith.constant 80 : i32
        %mul3A_619 = arith.muli %add3A_617, %mul3A_618 : i32
        %add3A_620 = arith.addi %mul3A_4, %mul3A_619 : i32
        %dma_start3A_621 = arith.constant 4 : i32
        %dma_start3A_622 = arith.constant 0 : i32
        %dma_start3A_623 = tpu.memref_slice %arg6[%dma_start3A_621, %dma_start3A_622] : memref<8x80xi32, #tpu.memory_space<vmem>> -> memref<1x80xi32, #tpu.memory_space<vmem>>
        %dma_start3A_624 = tpu.memref_squeeze %dma_start3A_623 : memref<1x80xi32, #tpu.memory_space<vmem>> -> memref<80xi32, #tpu.memory_space<vmem>>
        %dma_start3A_625 = tpu.memref_slice %arg3[%add3A_620] : memref<640000xi32, #tpu.memory_space<hbm>> -> memref<80xi32, #tpu.memory_space<hbm>>
        %dma_start3A_626 = arith.constant 0 : i32
        %dma_start3A_627 = tpu.memref_slice %arg6[%dma_start3A_621, %dma_start3A_626] : memref<8x80xi32, #tpu.memory_space<vmem>> -> memref<1x80xi32, #tpu.memory_space<vmem>>
        %dma_start3A_628 = tpu.memref_squeeze %dma_start3A_627 : memref<1x80xi32, #tpu.memory_space<vmem>> -> memref<80xi32, #tpu.memory_space<vmem>>
        %dma_start3A_629 = tpu.memref_slice %arg3[%add3A_620] : memref<640000xi32, #tpu.memory_space<hbm>> -> memref<80xi32, #tpu.memory_space<hbm>>
        tpu.enqueue_dma source(%dma_start3A_629 : memref<80xi32, #tpu.memory_space<hbm>>) target(%dma_start3A_628 : memref<80xi32, #tpu.memory_space<vmem>>) target_semaphore(%arg21 : memref<!tpu.dma_semaphore, #tpu.memory_space<semaphore_mem>>)
        %add3A_630 = arith.constant 320000 : i32
        %add3A_631 = arith.addi %add3A_630, %add3A_620 : i32
        %dma_start3A_632 = arith.constant 4 : i32
        %dma_start3A_633 = arith.constant 0 : i32
        %dma_start3A_634 = tpu.memref_slice %arg7[%dma_start3A_632, %dma_start3A_633] : memref<8x80xi32, #tpu.memory_space<vmem>> -> memref<1x80xi32, #tpu.memory_space<vmem>>
        %dma_start3A_635 = tpu.memref_squeeze %dma_start3A_634 : memref<1x80xi32, #tpu.memory_space<vmem>> -> memref<80xi32, #tpu.memory_space<vmem>>
        %dma_start3A_636 = tpu.memref_slice %arg3[%add3A_631] : memref<640000xi32, #tpu.memory_space<hbm>> -> memref<80xi32, #tpu.memory_space<hbm>>
        %dma_start3A_637 = arith.constant 0 : i32
        %dma_start3A_638 = tpu.memref_slice %arg7[%dma_start3A_632, %dma_start3A_637] : memref<8x80xi32, #tpu.memory_space<vmem>> -> memref<1x80xi32, #tpu.memory_space<vmem>>
        %dma_start3A_639 = tpu.memref_squeeze %dma_start3A_638 : memref<1x80xi32, #tpu.memory_space<vmem>> -> memref<80xi32, #tpu.memory_space<vmem>>
        %dma_start3A_640 = tpu.memref_slice %arg3[%add3A_631] : memref<640000xi32, #tpu.memory_space<hbm>> -> memref<80xi32, #tpu.memory_space<hbm>>
        tpu.enqueue_dma source(%dma_start3A_640 : memref<80xi32, #tpu.memory_space<hbm>>) target(%dma_start3A_639 : memref<80xi32, #tpu.memory_space<vmem>>) target_semaphore(%arg21 : memref<!tpu.dma_semaphore, #tpu.memory_space<semaphore_mem>>)
      } else {
      }
      %mul3A_466 = arith.constant 2 : i32
      %mul3A_467 = arith.muli %scan3A_375, %mul3A_466 : i32
      %add3A_468 = arith.constant 0 : i32
      %add3A_469 = arith.addi %mul3A_467, %add3A_468 : i32
      %mul3A_470 = arith.constant 4 : i32
      %mul3A_471 = arith.muli %add3A_469, %mul3A_470 : i32
      %add3A_472 = arith.constant 3 : i32
      %add3A_473 = arith.addi %mul3A_471, %add3A_472 : i32
      %dma_wait3A_474 = arith.constant 6 : i32
      %dma_wait3A_475 = arith.constant 0 : i32
      %dma_wait3A_476 = tpu.memref_slice %arg6[%dma_wait3A_474, %dma_wait3A_475] : memref<8x80xi32, #tpu.memory_space<vmem>> -> memref<1x80xi32, #tpu.memory_space<vmem>>
      %dma_wait3A_477 = tpu.memref_squeeze %dma_wait3A_476 : memref<1x80xi32, #tpu.memory_space<vmem>> -> memref<80xi32, #tpu.memory_space<vmem>>
      %dma_wait3A_478 = arith.constant 0 : i32
      %dma_wait3A_479 = arith.constant 0 : i32
      %dma_wait3A_480 = tpu.memref_slice %arg2[%dma_wait3A_478, %dma_wait3A_479] : memref<10000x128xf32, #tpu.memory_space<hbm>> -> memref<10000x128xf32, #tpu.memory_space<hbm>>
      tpu.wait_indirect_dma semaphore(%arg16 : memref<!tpu.dma_semaphore, #tpu.memory_space<semaphore_mem>>) src(%dma_wait3A_480 : memref<10000x128xf32, #tpu.memory_space<hbm>>) dst(%arg11 : memref<80x128xf32, #tpu.memory_space<vmem>>)
      %run_scoped3A_481 = arith.constant 6 : i32
      "tpu.region"() ({
        %run_scoped3A_616 = tpu.sem_alloc : memref<!tpu.dma_semaphore, #tpu.memory_space<semaphore_mem>>
        %dma_start3A_617 = arith.constant 0 : i32
        %dma_start3A_618 = tpu.memref_slice %arg7[%run_scoped3A_481, %dma_start3A_617] : memref<8x80xi32, #tpu.memory_space<vmem>> -> memref<1x80xi32, #tpu.memory_space<vmem>>
        %dma_start3A_619 = tpu.memref_squeeze %dma_start3A_618 : memref<1x80xi32, #tpu.memory_space<vmem>> -> memref<80xi32, #tpu.memory_space<vmem>>
        %dma_start3A_620 = arith.constant 0 : i32
        %dma_start3A_621 = arith.constant 0 : i32
        %dma_start3A_622 = tpu.memref_slice %arg12[%dma_start3A_620, %dma_start3A_621] : memref<10240x128xf32, #tpu.memory_space<vmem_shared>> -> memref<10240x128xf32, #tpu.memory_space<vmem_shared>>
        tpu.enqueue_indirect_dma source(%arg11 : memref<80x128xf32, #tpu.memory_space<vmem>>) target(%dma_start3A_622 : memref<10240x128xf32, #tpu.memory_space<vmem_shared>>) offsets(%dma_start3A_619 : memref<80xi32, #tpu.memory_space<vmem>>) semaphore(%run_scoped3A_616 : memref<!tpu.dma_semaphore, #tpu.memory_space<semaphore_mem>>) {add = true}
        %dma_wait3A_623 = arith.constant 0 : i32
        %dma_wait3A_624 = tpu.memref_slice %arg7[%run_scoped3A_481, %dma_wait3A_623] : memref<8x80xi32, #tpu.memory_space<vmem>> -> memref<1x80xi32, #tpu.memory_space<vmem>>
        %dma_wait3A_625 = tpu.memref_squeeze %dma_wait3A_624 : memref<1x80xi32, #tpu.memory_space<vmem>> -> memref<80xi32, #tpu.memory_space<vmem>>
        %dma_wait3A_626 = arith.constant 0 : i32
        %dma_wait3A_627 = arith.constant 0 : i32
        %dma_wait3A_628 = tpu.memref_slice %arg12[%dma_wait3A_626, %dma_wait3A_627] : memref<10240x128xf32, #tpu.memory_space<vmem_shared>> -> memref<10240x128xf32, #tpu.memory_space<vmem_shared>>
        tpu.wait_indirect_dma semaphore(%run_scoped3A_616 : memref<!tpu.dma_semaphore, #tpu.memory_space<semaphore_mem>>) src(%arg11 : memref<80x128xf32, #tpu.memory_space<vmem>>) dst(%dma_wait3A_628 : memref<10240x128xf32, #tpu.memory_space<vmem_shared>>)
        tpu.yield
      }) : () -> ()
      %add3A_482 = arith.constant 4 : i32
      %add3A_483 = arith.addi %add3A_473, %add3A_482 : i32
      %lt3A_484 = arith.constant 125 : i32
      %lt3A_485 = arith.cmpi slt, %add3A_483, %lt3A_484 : i32
      %convert_element_type3A_486 = arith.extui %lt3A_485 : i1 to i32
      %cond3A_487 = arith.constant 0 : i32
      %cond3A_488 = arith.cmpi ne, %convert_element_type3A_486, %cond3A_487 : i32
      scf.if %cond3A_488 {
        %add3A_616 = arith.constant 4 : i32
        %add3A_617 = arith.addi %add3A_473, %add3A_616 : i32
        %mul3A_618 = arith.constant 80 : i32
        %mul3A_619 = arith.muli %add3A_617, %mul3A_618 : i32
        %add3A_620 = arith.addi %mul3A_4, %mul3A_619 : i32
        %dma_wait3A_621 = arith.constant 7 : i32
        %dma_wait3A_622 = arith.constant 0 : i32
        %dma_wait3A_623 = tpu.memref_slice %arg6[%dma_wait3A_621, %dma_wait3A_622] : memref<8x80xi32, #tpu.memory_space<vmem>> -> memref<1x80xi32, #tpu.memory_space<vmem>>
        %dma_wait3A_624 = tpu.memref_squeeze %dma_wait3A_623 : memref<1x80xi32, #tpu.memory_space<vmem>> -> memref<80xi32, #tpu.memory_space<vmem>>
        %dma_wait3A_625 = tpu.memref_slice %arg3[%add3A_620] : memref<640000xi32, #tpu.memory_space<hbm>> -> memref<80xi32, #tpu.memory_space<hbm>>
        %dma_wait3A_626 = arith.constant 0 : i32
        %dma_wait3A_627 = tpu.memref_slice %arg6[%dma_wait3A_621, %dma_wait3A_626] : memref<8x80xi32, #tpu.memory_space<vmem>> -> memref<1x80xi32, #tpu.memory_space<vmem>>
        %dma_wait3A_628 = tpu.memref_squeeze %dma_wait3A_627 : memref<1x80xi32, #tpu.memory_space<vmem>> -> memref<80xi32, #tpu.memory_space<vmem>>
        %dma_wait3A_629 = tpu.memref_slice %arg3[%add3A_620] : memref<640000xi32, #tpu.memory_space<hbm>> -> memref<80xi32, #tpu.memory_space<hbm>>
        tpu.wait_dma2 semaphore(%arg24 : memref<!tpu.dma_semaphore, #tpu.memory_space<semaphore_mem>>) src(%dma_wait3A_629 : memref<80xi32, #tpu.memory_space<hbm>>) dst(%dma_wait3A_628 : memref<80xi32, #tpu.memory_space<vmem>>)
        %add3A_630 = arith.constant 320000 : i32
        %add3A_631 = arith.addi %add3A_630, %add3A_620 : i32
        %dma_wait3A_632 = arith.constant 7 : i32
        %dma_wait3A_633 = arith.constant 0 : i32
        %dma_wait3A_634 = tpu.memref_slice %arg7[%dma_wait3A_632, %dma_wait3A_633] : memref<8x80xi32, #tpu.memory_space<vmem>> -> memref<1x80xi32, #tpu.memory_space<vmem>>
        %dma_wait3A_635 = tpu.memref_squeeze %dma_wait3A_634 : memref<1x80xi32, #tpu.memory_space<vmem>> -> memref<80xi32, #tpu.memory_space<vmem>>
        %dma_wait3A_636 = tpu.memref_slice %arg3[%add3A_631] : memref<640000xi32, #tpu.memory_space<hbm>> -> memref<80xi32, #tpu.memory_space<hbm>>
        %dma_wait3A_637 = arith.constant 0 : i32
        %dma_wait3A_638 = tpu.memref_slice %arg7[%dma_wait3A_632, %dma_wait3A_637] : memref<8x80xi32, #tpu.memory_space<vmem>> -> memref<1x80xi32, #tpu.memory_space<vmem>>
        %dma_wait3A_639 = tpu.memref_squeeze %dma_wait3A_638 : memref<1x80xi32, #tpu.memory_space<vmem>> -> memref<80xi32, #tpu.memory_space<vmem>>
        %dma_wait3A_640 = tpu.memref_slice %arg3[%add3A_631] : memref<640000xi32, #tpu.memory_space<hbm>> -> memref<80xi32, #tpu.memory_space<hbm>>
        tpu.wait_dma2 semaphore(%arg24 : memref<!tpu.dma_semaphore, #tpu.memory_space<semaphore_mem>>) src(%dma_wait3A_640 : memref<80xi32, #tpu.memory_space<hbm>>) dst(%dma_wait3A_639 : memref<80xi32, #tpu.memory_space<vmem>>)
        %dma_start3A_641 = arith.constant 7 : i32
        %dma_start3A_642 = arith.constant 0 : i32
        %dma_start3A_643 = tpu.memref_slice %arg6[%dma_start3A_641, %dma_start3A_642] : memref<8x80xi32, #tpu.memory_space<vmem>> -> memref<1x80xi32, #tpu.memory_space<vmem>>
        %dma_start3A_644 = tpu.memref_squeeze %dma_start3A_643 : memref<1x80xi32, #tpu.memory_space<vmem>> -> memref<80xi32, #tpu.memory_space<vmem>>
        %dma_start3A_645 = arith.constant 0 : i32
        %dma_start3A_646 = arith.constant 0 : i32
        %dma_start3A_647 = tpu.memref_slice %arg2[%dma_start3A_645, %dma_start3A_646] : memref<10000x128xf32, #tpu.memory_space<hbm>> -> memref<10000x128xf32, #tpu.memory_space<hbm>>
        tpu.enqueue_indirect_dma source(%dma_start3A_647 : memref<10000x128xf32, #tpu.memory_space<hbm>>) target(%arg11 : memref<80x128xf32, #tpu.memory_space<vmem>>) offsets(%dma_start3A_644 : memref<80xi32, #tpu.memory_space<vmem>>) semaphore(%arg16 : memref<!tpu.dma_semaphore, #tpu.memory_space<semaphore_mem>>)
      } else {
      }
      %add3A_489 = arith.constant 8 : i32
      %add3A_490 = arith.addi %add3A_473, %add3A_489 : i32
      %lt3A_491 = arith.constant 125 : i32
      %lt3A_492 = arith.cmpi slt, %add3A_490, %lt3A_491 : i32
      %convert_element_type3A_493 = arith.extui %lt3A_492 : i1 to i32
      %cond3A_494 = arith.constant 0 : i32
      %cond3A_495 = arith.cmpi ne, %convert_element_type3A_493, %cond3A_494 : i32
      scf.if %cond3A_495 {
        %add3A_616 = arith.constant 8 : i32
        %add3A_617 = arith.addi %add3A_473, %add3A_616 : i32
        %mul3A_618 = arith.constant 80 : i32
        %mul3A_619 = arith.muli %add3A_617, %mul3A_618 : i32
        %add3A_620 = arith.addi %mul3A_4, %mul3A_619 : i32
        %dma_start3A_621 = arith.constant 6 : i32
        %dma_start3A_622 = arith.constant 0 : i32
        %dma_start3A_623 = tpu.memref_slice %arg6[%dma_start3A_621, %dma_start3A_622] : memref<8x80xi32, #tpu.memory_space<vmem>> -> memref<1x80xi32, #tpu.memory_space<vmem>>
        %dma_start3A_624 = tpu.memref_squeeze %dma_start3A_623 : memref<1x80xi32, #tpu.memory_space<vmem>> -> memref<80xi32, #tpu.memory_space<vmem>>
        %dma_start3A_625 = tpu.memref_slice %arg3[%add3A_620] : memref<640000xi32, #tpu.memory_space<hbm>> -> memref<80xi32, #tpu.memory_space<hbm>>
        %dma_start3A_626 = arith.constant 0 : i32
        %dma_start3A_627 = tpu.memref_slice %arg6[%dma_start3A_621, %dma_start3A_626] : memref<8x80xi32, #tpu.memory_space<vmem>> -> memref<1x80xi32, #tpu.memory_space<vmem>>
        %dma_start3A_628 = tpu.memref_squeeze %dma_start3A_627 : memref<1x80xi32, #tpu.memory_space<vmem>> -> memref<80xi32, #tpu.memory_space<vmem>>
        %dma_start3A_629 = tpu.memref_slice %arg3[%add3A_620] : memref<640000xi32, #tpu.memory_space<hbm>> -> memref<80xi32, #tpu.memory_space<hbm>>
        tpu.enqueue_dma source(%dma_start3A_629 : memref<80xi32, #tpu.memory_space<hbm>>) target(%dma_start3A_628 : memref<80xi32, #tpu.memory_space<vmem>>) target_semaphore(%arg23 : memref<!tpu.dma_semaphore, #tpu.memory_space<semaphore_mem>>)
        %add3A_630 = arith.constant 320000 : i32
        %add3A_631 = arith.addi %add3A_630, %add3A_620 : i32
        %dma_start3A_632 = arith.constant 6 : i32
        %dma_start3A_633 = arith.constant 0 : i32
        %dma_start3A_634 = tpu.memref_slice %arg7[%dma_start3A_632, %dma_start3A_633] : memref<8x80xi32, #tpu.memory_space<vmem>> -> memref<1x80xi32, #tpu.memory_space<vmem>>
        %dma_start3A_635 = tpu.memref_squeeze %dma_start3A_634 : memref<1x80xi32, #tpu.memory_space<vmem>> -> memref<80xi32, #tpu.memory_space<vmem>>
        %dma_start3A_636 = tpu.memref_slice %arg3[%add3A_631] : memref<640000xi32, #tpu.memory_space<hbm>> -> memref<80xi32, #tpu.memory_space<hbm>>
        %dma_start3A_637 = arith.constant 0 : i32
        %dma_start3A_638 = tpu.memref_slice %arg7[%dma_start3A_632, %dma_start3A_637] : memref<8x80xi32, #tpu.memory_space<vmem>> -> memref<1x80xi32, #tpu.memory_space<vmem>>
        %dma_start3A_639 = tpu.memref_squeeze %dma_start3A_638 : memref<1x80xi32, #tpu.memory_space<vmem>> -> memref<80xi32, #tpu.memory_space<vmem>>
        %dma_start3A_640 = tpu.memref_slice %arg3[%add3A_631] : memref<640000xi32, #tpu.memory_space<hbm>> -> memref<80xi32, #tpu.memory_space<hbm>>
        tpu.enqueue_dma source(%dma_start3A_640 : memref<80xi32, #tpu.memory_space<hbm>>) target(%dma_start3A_639 : memref<80xi32, #tpu.memory_space<vmem>>) target_semaphore(%arg23 : memref<!tpu.dma_semaphore, #tpu.memory_space<semaphore_mem>>)
      } else {
      }
      %mul3A_496 = arith.constant 2 : i32
      %mul3A_497 = arith.muli %scan3A_375, %mul3A_496 : i32
      %add3A_498 = arith.constant 1 : i32
      %add3A_499 = arith.addi %mul3A_497, %add3A_498 : i32
      %mul3A_500 = arith.constant 4 : i32
      %mul3A_501 = arith.muli %add3A_499, %mul3A_500 : i32
      %add3A_502 = arith.constant 0 : i32
      %add3A_503 = arith.addi %mul3A_501, %add3A_502 : i32
      %dma_wait3A_504 = arith.constant 1 : i32
      %dma_wait3A_505 = arith.constant 0 : i32
      %dma_wait3A_506 = tpu.memref_slice %arg6[%dma_wait3A_504, %dma_wait3A_505] : memref<8x80xi32, #tpu.memory_space<vmem>> -> memref<1x80xi32, #tpu.memory_space<vmem>>
      %dma_wait3A_507 = tpu.memref_squeeze %dma_wait3A_506 : memref<1x80xi32, #tpu.memory_space<vmem>> -> memref<80xi32, #tpu.memory_space<vmem>>
      %dma_wait3A_508 = arith.constant 0 : i32
      %dma_wait3A_509 = arith.constant 0 : i32
      %dma_wait3A_510 = tpu.memref_slice %arg2[%dma_wait3A_508, %dma_wait3A_509] : memref<10000x128xf32, #tpu.memory_space<hbm>> -> memref<10000x128xf32, #tpu.memory_space<hbm>>
      tpu.wait_indirect_dma semaphore(%arg13 : memref<!tpu.dma_semaphore, #tpu.memory_space<semaphore_mem>>) src(%dma_wait3A_510 : memref<10000x128xf32, #tpu.memory_space<hbm>>) dst(%arg8 : memref<80x128xf32, #tpu.memory_space<vmem>>)
      %run_scoped3A_511 = arith.constant 1 : i32
      "tpu.region"() ({
        %run_scoped3A_616 = tpu.sem_alloc : memref<!tpu.dma_semaphore, #tpu.memory_space<semaphore_mem>>
        %dma_start3A_617 = arith.constant 0 : i32
        %dma_start3A_618 = tpu.memref_slice %arg7[%run_scoped3A_511, %dma_start3A_617] : memref<8x80xi32, #tpu.memory_space<vmem>> -> memref<1x80xi32, #tpu.memory_space<vmem>>
        %dma_start3A_619 = tpu.memref_squeeze %dma_start3A_618 : memref<1x80xi32, #tpu.memory_space<vmem>> -> memref<80xi32, #tpu.memory_space<vmem>>
        %dma_start3A_620 = arith.constant 0 : i32
        %dma_start3A_621 = arith.constant 0 : i32
        %dma_start3A_622 = tpu.memref_slice %arg12[%dma_start3A_620, %dma_start3A_621] : memref<10240x128xf32, #tpu.memory_space<vmem_shared>> -> memref<10240x128xf32, #tpu.memory_space<vmem_shared>>
        tpu.enqueue_indirect_dma source(%arg8 : memref<80x128xf32, #tpu.memory_space<vmem>>) target(%dma_start3A_622 : memref<10240x128xf32, #tpu.memory_space<vmem_shared>>) offsets(%dma_start3A_619 : memref<80xi32, #tpu.memory_space<vmem>>) semaphore(%run_scoped3A_616 : memref<!tpu.dma_semaphore, #tpu.memory_space<semaphore_mem>>) {add = true}
        %dma_wait3A_623 = arith.constant 0 : i32
        %dma_wait3A_624 = tpu.memref_slice %arg7[%run_scoped3A_511, %dma_wait3A_623] : memref<8x80xi32, #tpu.memory_space<vmem>> -> memref<1x80xi32, #tpu.memory_space<vmem>>
        %dma_wait3A_625 = tpu.memref_squeeze %dma_wait3A_624 : memref<1x80xi32, #tpu.memory_space<vmem>> -> memref<80xi32, #tpu.memory_space<vmem>>
        %dma_wait3A_626 = arith.constant 0 : i32
        %dma_wait3A_627 = arith.constant 0 : i32
        %dma_wait3A_628 = tpu.memref_slice %arg12[%dma_wait3A_626, %dma_wait3A_627] : memref<10240x128xf32, #tpu.memory_space<vmem_shared>> -> memref<10240x128xf32, #tpu.memory_space<vmem_shared>>
        tpu.wait_indirect_dma semaphore(%run_scoped3A_616 : memref<!tpu.dma_semaphore, #tpu.memory_space<semaphore_mem>>) src(%arg8 : memref<80x128xf32, #tpu.memory_space<vmem>>) dst(%dma_wait3A_628 : memref<10240x128xf32, #tpu.memory_space<vmem_shared>>)
        tpu.yield
      }) : () -> ()
      %add3A_512 = arith.constant 4 : i32
      %add3A_513 = arith.addi %add3A_503, %add3A_512 : i32
      %lt3A_514 = arith.constant 125 : i32
      %lt3A_515 = arith.cmpi slt, %add3A_513, %lt3A_514 : i32
      %convert_element_type3A_516 = arith.extui %lt3A_515 : i1 to i32
      %cond3A_517 = arith.constant 0 : i32
      %cond3A_518 = arith.cmpi ne, %convert_element_type3A_516, %cond3A_517 : i32
      scf.if %cond3A_518 {
        %add3A_616 = arith.constant 4 : i32
        %add3A_617 = arith.addi %add3A_503, %add3A_616 : i32
        %mul3A_618 = arith.constant 80 : i32
        %mul3A_619 = arith.muli %add3A_617, %mul3A_618 : i32
        %add3A_620 = arith.addi %mul3A_4, %mul3A_619 : i32
        %dma_wait3A_621 = arith.constant 0 : i32
        %dma_wait3A_622 = arith.constant 0 : i32
        %dma_wait3A_623 = tpu.memref_slice %arg6[%dma_wait3A_621, %dma_wait3A_622] : memref<8x80xi32, #tpu.memory_space<vmem>> -> memref<1x80xi32, #tpu.memory_space<vmem>>
        %dma_wait3A_624 = tpu.memref_squeeze %dma_wait3A_623 : memref<1x80xi32, #tpu.memory_space<vmem>> -> memref<80xi32, #tpu.memory_space<vmem>>
        %dma_wait3A_625 = tpu.memref_slice %arg3[%add3A_620] : memref<640000xi32, #tpu.memory_space<hbm>> -> memref<80xi32, #tpu.memory_space<hbm>>
        %dma_wait3A_626 = arith.constant 0 : i32
        %dma_wait3A_627 = tpu.memref_slice %arg6[%dma_wait3A_621, %dma_wait3A_626] : memref<8x80xi32, #tpu.memory_space<vmem>> -> memref<1x80xi32, #tpu.memory_space<vmem>>
        %dma_wait3A_628 = tpu.memref_squeeze %dma_wait3A_627 : memref<1x80xi32, #tpu.memory_space<vmem>> -> memref<80xi32, #tpu.memory_space<vmem>>
        %dma_wait3A_629 = tpu.memref_slice %arg3[%add3A_620] : memref<640000xi32, #tpu.memory_space<hbm>> -> memref<80xi32, #tpu.memory_space<hbm>>
        tpu.wait_dma2 semaphore(%arg17 : memref<!tpu.dma_semaphore, #tpu.memory_space<semaphore_mem>>) src(%dma_wait3A_629 : memref<80xi32, #tpu.memory_space<hbm>>) dst(%dma_wait3A_628 : memref<80xi32, #tpu.memory_space<vmem>>)
        %add3A_630 = arith.constant 320000 : i32
        %add3A_631 = arith.addi %add3A_630, %add3A_620 : i32
        %dma_wait3A_632 = arith.constant 0 : i32
        %dma_wait3A_633 = arith.constant 0 : i32
        %dma_wait3A_634 = tpu.memref_slice %arg7[%dma_wait3A_632, %dma_wait3A_633] : memref<8x80xi32, #tpu.memory_space<vmem>> -> memref<1x80xi32, #tpu.memory_space<vmem>>
        %dma_wait3A_635 = tpu.memref_squeeze %dma_wait3A_634 : memref<1x80xi32, #tpu.memory_space<vmem>> -> memref<80xi32, #tpu.memory_space<vmem>>
        %dma_wait3A_636 = tpu.memref_slice %arg3[%add3A_631] : memref<640000xi32, #tpu.memory_space<hbm>> -> memref<80xi32, #tpu.memory_space<hbm>>
        %dma_wait3A_637 = arith.constant 0 : i32
        %dma_wait3A_638 = tpu.memref_slice %arg7[%dma_wait3A_632, %dma_wait3A_637] : memref<8x80xi32, #tpu.memory_space<vmem>> -> memref<1x80xi32, #tpu.memory_space<vmem>>
        %dma_wait3A_639 = tpu.memref_squeeze %dma_wait3A_638 : memref<1x80xi32, #tpu.memory_space<vmem>> -> memref<80xi32, #tpu.memory_space<vmem>>
        %dma_wait3A_640 = tpu.memref_slice %arg3[%add3A_631] : memref<640000xi32, #tpu.memory_space<hbm>> -> memref<80xi32, #tpu.memory_space<hbm>>
        tpu.wait_dma2 semaphore(%arg17 : memref<!tpu.dma_semaphore, #tpu.memory_space<semaphore_mem>>) src(%dma_wait3A_640 : memref<80xi32, #tpu.memory_space<hbm>>) dst(%dma_wait3A_639 : memref<80xi32, #tpu.memory_space<vmem>>)
        %dma_start3A_641 = arith.constant 0 : i32
        %dma_start3A_642 = arith.constant 0 : i32
        %dma_start3A_643 = tpu.memref_slice %arg6[%dma_start3A_641, %dma_start3A_642] : memref<8x80xi32, #tpu.memory_space<vmem>> -> memref<1x80xi32, #tpu.memory_space<vmem>>
        %dma_start3A_644 = tpu.memref_squeeze %dma_start3A_643 : memref<1x80xi32, #tpu.memory_space<vmem>> -> memref<80xi32, #tpu.memory_space<vmem>>
        %dma_start3A_645 = arith.constant 0 : i32
        %dma_start3A_646 = arith.constant 0 : i32
        %dma_start3A_647 = tpu.memref_slice %arg2[%dma_start3A_645, %dma_start3A_646] : memref<10000x128xf32, #tpu.memory_space<hbm>> -> memref<10000x128xf32, #tpu.memory_space<hbm>>
        tpu.enqueue_indirect_dma source(%dma_start3A_647 : memref<10000x128xf32, #tpu.memory_space<hbm>>) target(%arg8 : memref<80x128xf32, #tpu.memory_space<vmem>>) offsets(%dma_start3A_644 : memref<80xi32, #tpu.memory_space<vmem>>) semaphore(%arg13 : memref<!tpu.dma_semaphore, #tpu.memory_space<semaphore_mem>>)
      } else {
      }
      %add3A_519 = arith.constant 8 : i32
      %add3A_520 = arith.addi %add3A_503, %add3A_519 : i32
      %lt3A_521 = arith.constant 125 : i32
      %lt3A_522 = arith.cmpi slt, %add3A_520, %lt3A_521 : i32
      %convert_element_type3A_523 = arith.extui %lt3A_522 : i1 to i32
      %cond3A_524 = arith.constant 0 : i32
      %cond3A_525 = arith.cmpi ne, %convert_element_type3A_523, %cond3A_524 : i32
      scf.if %cond3A_525 {
        %add3A_616 = arith.constant 8 : i32
        %add3A_617 = arith.addi %add3A_503, %add3A_616 : i32
        %mul3A_618 = arith.constant 80 : i32
        %mul3A_619 = arith.muli %add3A_617, %mul3A_618 : i32
        %add3A_620 = arith.addi %mul3A_4, %mul3A_619 : i32
        %dma_start3A_621 = arith.constant 1 : i32
        %dma_start3A_622 = arith.constant 0 : i32
        %dma_start3A_623 = tpu.memref_slice %arg6[%dma_start3A_621, %dma_start3A_622] : memref<8x80xi32, #tpu.memory_space<vmem>> -> memref<1x80xi32, #tpu.memory_space<vmem>>
        %dma_start3A_624 = tpu.memref_squeeze %dma_start3A_623 : memref<1x80xi32, #tpu.memory_space<vmem>> -> memref<80xi32, #tpu.memory_space<vmem>>
        %dma_start3A_625 = tpu.memref_slice %arg3[%add3A_620] : memref<640000xi32, #tpu.memory_space<hbm>> -> memref<80xi32, #tpu.memory_space<hbm>>
        %dma_start3A_626 = arith.constant 0 : i32
        %dma_start3A_627 = tpu.memref_slice %arg6[%dma_start3A_621, %dma_start3A_626] : memref<8x80xi32, #tpu.memory_space<vmem>> -> memref<1x80xi32, #tpu.memory_space<vmem>>
        %dma_start3A_628 = tpu.memref_squeeze %dma_start3A_627 : memref<1x80xi32, #tpu.memory_space<vmem>> -> memref<80xi32, #tpu.memory_space<vmem>>
        %dma_start3A_629 = tpu.memref_slice %arg3[%add3A_620] : memref<640000xi32, #tpu.memory_space<hbm>> -> memref<80xi32, #tpu.memory_space<hbm>>
        tpu.enqueue_dma source(%dma_start3A_629 : memref<80xi32, #tpu.memory_space<hbm>>) target(%dma_start3A_628 : memref<80xi32, #tpu.memory_space<vmem>>) target_semaphore(%arg18 : memref<!tpu.dma_semaphore, #tpu.memory_space<semaphore_mem>>)
        %add3A_630 = arith.constant 320000 : i32
        %add3A_631 = arith.addi %add3A_630, %add3A_620 : i32
        %dma_start3A_632 = arith.constant 1 : i32
        %dma_start3A_633 = arith.constant 0 : i32
        %dma_start3A_634 = tpu.memref_slice %arg7[%dma_start3A_632, %dma_start3A_633] : memref<8x80xi32, #tpu.memory_space<vmem>> -> memref<1x80xi32, #tpu.memory_space<vmem>>
        %dma_start3A_635 = tpu.memref_squeeze %dma_start3A_634 : memref<1x80xi32, #tpu.memory_space<vmem>> -> memref<80xi32, #tpu.memory_space<vmem>>
        %dma_start3A_636 = tpu.memref_slice %arg3[%add3A_631] : memref<640000xi32, #tpu.memory_space<hbm>> -> memref<80xi32, #tpu.memory_space<hbm>>
        %dma_start3A_637 = arith.constant 0 : i32
        %dma_start3A_638 = tpu.memref_slice %arg7[%dma_start3A_632, %dma_start3A_637] : memref<8x80xi32, #tpu.memory_space<vmem>> -> memref<1x80xi32, #tpu.memory_space<vmem>>
        %dma_start3A_639 = tpu.memref_squeeze %dma_start3A_638 : memref<1x80xi32, #tpu.memory_space<vmem>> -> memref<80xi32, #tpu.memory_space<vmem>>
        %dma_start3A_640 = tpu.memref_slice %arg3[%add3A_631] : memref<640000xi32, #tpu.memory_space<hbm>> -> memref<80xi32, #tpu.memory_space<hbm>>
        tpu.enqueue_dma source(%dma_start3A_640 : memref<80xi32, #tpu.memory_space<hbm>>) target(%dma_start3A_639 : memref<80xi32, #tpu.memory_space<vmem>>) target_semaphore(%arg18 : memref<!tpu.dma_semaphore, #tpu.memory_space<semaphore_mem>>)
      } else {
      }
      %mul3A_526 = arith.constant 2 : i32
      %mul3A_527 = arith.muli %scan3A_375, %mul3A_526 : i32
      %add3A_528 = arith.constant 1 : i32
      %add3A_529 = arith.addi %mul3A_527, %add3A_528 : i32
      %mul3A_530 = arith.constant 4 : i32
      %mul3A_531 = arith.muli %add3A_529, %mul3A_530 : i32
      %add3A_532 = arith.constant 1 : i32
      %add3A_533 = arith.addi %mul3A_531, %add3A_532 : i32
      %dma_wait3A_534 = arith.constant 3 : i32
      %dma_wait3A_535 = arith.constant 0 : i32
      %dma_wait3A_536 = tpu.memref_slice %arg6[%dma_wait3A_534, %dma_wait3A_535] : memref<8x80xi32, #tpu.memory_space<vmem>> -> memref<1x80xi32, #tpu.memory_space<vmem>>
      %dma_wait3A_537 = tpu.memref_squeeze %dma_wait3A_536 : memref<1x80xi32, #tpu.memory_space<vmem>> -> memref<80xi32, #tpu.memory_space<vmem>>
      %dma_wait3A_538 = arith.constant 0 : i32
      %dma_wait3A_539 = arith.constant 0 : i32
      %dma_wait3A_540 = tpu.memref_slice %arg2[%dma_wait3A_538, %dma_wait3A_539] : memref<10000x128xf32, #tpu.memory_space<hbm>> -> memref<10000x128xf32, #tpu.memory_space<hbm>>
      tpu.wait_indirect_dma semaphore(%arg14 : memref<!tpu.dma_semaphore, #tpu.memory_space<semaphore_mem>>) src(%dma_wait3A_540 : memref<10000x128xf32, #tpu.memory_space<hbm>>) dst(%arg9 : memref<80x128xf32, #tpu.memory_space<vmem>>)
      %run_scoped3A_541 = arith.constant 3 : i32
      "tpu.region"() ({
        %run_scoped3A_616 = tpu.sem_alloc : memref<!tpu.dma_semaphore, #tpu.memory_space<semaphore_mem>>
        %dma_start3A_617 = arith.constant 0 : i32
        %dma_start3A_618 = tpu.memref_slice %arg7[%run_scoped3A_541, %dma_start3A_617] : memref<8x80xi32, #tpu.memory_space<vmem>> -> memref<1x80xi32, #tpu.memory_space<vmem>>
        %dma_start3A_619 = tpu.memref_squeeze %dma_start3A_618 : memref<1x80xi32, #tpu.memory_space<vmem>> -> memref<80xi32, #tpu.memory_space<vmem>>
        %dma_start3A_620 = arith.constant 0 : i32
        %dma_start3A_621 = arith.constant 0 : i32
        %dma_start3A_622 = tpu.memref_slice %arg12[%dma_start3A_620, %dma_start3A_621] : memref<10240x128xf32, #tpu.memory_space<vmem_shared>> -> memref<10240x128xf32, #tpu.memory_space<vmem_shared>>
        tpu.enqueue_indirect_dma source(%arg9 : memref<80x128xf32, #tpu.memory_space<vmem>>) target(%dma_start3A_622 : memref<10240x128xf32, #tpu.memory_space<vmem_shared>>) offsets(%dma_start3A_619 : memref<80xi32, #tpu.memory_space<vmem>>) semaphore(%run_scoped3A_616 : memref<!tpu.dma_semaphore, #tpu.memory_space<semaphore_mem>>) {add = true}
        %dma_wait3A_623 = arith.constant 0 : i32
        %dma_wait3A_624 = tpu.memref_slice %arg7[%run_scoped3A_541, %dma_wait3A_623] : memref<8x80xi32, #tpu.memory_space<vmem>> -> memref<1x80xi32, #tpu.memory_space<vmem>>
        %dma_wait3A_625 = tpu.memref_squeeze %dma_wait3A_624 : memref<1x80xi32, #tpu.memory_space<vmem>> -> memref<80xi32, #tpu.memory_space<vmem>>
        %dma_wait3A_626 = arith.constant 0 : i32
        %dma_wait3A_627 = arith.constant 0 : i32
        %dma_wait3A_628 = tpu.memref_slice %arg12[%dma_wait3A_626, %dma_wait3A_627] : memref<10240x128xf32, #tpu.memory_space<vmem_shared>> -> memref<10240x128xf32, #tpu.memory_space<vmem_shared>>
        tpu.wait_indirect_dma semaphore(%run_scoped3A_616 : memref<!tpu.dma_semaphore, #tpu.memory_space<semaphore_mem>>) src(%arg9 : memref<80x128xf32, #tpu.memory_space<vmem>>) dst(%dma_wait3A_628 : memref<10240x128xf32, #tpu.memory_space<vmem_shared>>)
        tpu.yield
      }) : () -> ()
      %add3A_542 = arith.constant 4 : i32
      %add3A_543 = arith.addi %add3A_533, %add3A_542 : i32
      %lt3A_544 = arith.constant 125 : i32
      %lt3A_545 = arith.cmpi slt, %add3A_543, %lt3A_544 : i32
      %convert_element_type3A_546 = arith.extui %lt3A_545 : i1 to i32
      %cond3A_547 = arith.constant 0 : i32
      %cond3A_548 = arith.cmpi ne, %convert_element_type3A_546, %cond3A_547 : i32
      scf.if %cond3A_548 {
        %add3A_616 = arith.constant 4 : i32
        %add3A_617 = arith.addi %add3A_533, %add3A_616 : i32
        %mul3A_618 = arith.constant 80 : i32
        %mul3A_619 = arith.muli %add3A_617, %mul3A_618 : i32
        %add3A_620 = arith.addi %mul3A_4, %mul3A_619 : i32
        %dma_wait3A_621 = arith.constant 2 : i32
        %dma_wait3A_622 = arith.constant 0 : i32
        %dma_wait3A_623 = tpu.memref_slice %arg6[%dma_wait3A_621, %dma_wait3A_622] : memref<8x80xi32, #tpu.memory_space<vmem>> -> memref<1x80xi32, #tpu.memory_space<vmem>>
        %dma_wait3A_624 = tpu.memref_squeeze %dma_wait3A_623 : memref<1x80xi32, #tpu.memory_space<vmem>> -> memref<80xi32, #tpu.memory_space<vmem>>
        %dma_wait3A_625 = tpu.memref_slice %arg3[%add3A_620] : memref<640000xi32, #tpu.memory_space<hbm>> -> memref<80xi32, #tpu.memory_space<hbm>>
        %dma_wait3A_626 = arith.constant 0 : i32
        %dma_wait3A_627 = tpu.memref_slice %arg6[%dma_wait3A_621, %dma_wait3A_626] : memref<8x80xi32, #tpu.memory_space<vmem>> -> memref<1x80xi32, #tpu.memory_space<vmem>>
        %dma_wait3A_628 = tpu.memref_squeeze %dma_wait3A_627 : memref<1x80xi32, #tpu.memory_space<vmem>> -> memref<80xi32, #tpu.memory_space<vmem>>
        %dma_wait3A_629 = tpu.memref_slice %arg3[%add3A_620] : memref<640000xi32, #tpu.memory_space<hbm>> -> memref<80xi32, #tpu.memory_space<hbm>>
        tpu.wait_dma2 semaphore(%arg19 : memref<!tpu.dma_semaphore, #tpu.memory_space<semaphore_mem>>) src(%dma_wait3A_629 : memref<80xi32, #tpu.memory_space<hbm>>) dst(%dma_wait3A_628 : memref<80xi32, #tpu.memory_space<vmem>>)
        %add3A_630 = arith.constant 320000 : i32
        %add3A_631 = arith.addi %add3A_630, %add3A_620 : i32
        %dma_wait3A_632 = arith.constant 2 : i32
        %dma_wait3A_633 = arith.constant 0 : i32
        %dma_wait3A_634 = tpu.memref_slice %arg7[%dma_wait3A_632, %dma_wait3A_633] : memref<8x80xi32, #tpu.memory_space<vmem>> -> memref<1x80xi32, #tpu.memory_space<vmem>>
        %dma_wait3A_635 = tpu.memref_squeeze %dma_wait3A_634 : memref<1x80xi32, #tpu.memory_space<vmem>> -> memref<80xi32, #tpu.memory_space<vmem>>
        %dma_wait3A_636 = tpu.memref_slice %arg3[%add3A_631] : memref<640000xi32, #tpu.memory_space<hbm>> -> memref<80xi32, #tpu.memory_space<hbm>>
        %dma_wait3A_637 = arith.constant 0 : i32
        %dma_wait3A_638 = tpu.memref_slice %arg7[%dma_wait3A_632, %dma_wait3A_637] : memref<8x80xi32, #tpu.memory_space<vmem>> -> memref<1x80xi32, #tpu.memory_space<vmem>>
        %dma_wait3A_639 = tpu.memref_squeeze %dma_wait3A_638 : memref<1x80xi32, #tpu.memory_space<vmem>> -> memref<80xi32, #tpu.memory_space<vmem>>
        %dma_wait3A_640 = tpu.memref_slice %arg3[%add3A_631] : memref<640000xi32, #tpu.memory_space<hbm>> -> memref<80xi32, #tpu.memory_space<hbm>>
        tpu.wait_dma2 semaphore(%arg19 : memref<!tpu.dma_semaphore, #tpu.memory_space<semaphore_mem>>) src(%dma_wait3A_640 : memref<80xi32, #tpu.memory_space<hbm>>) dst(%dma_wait3A_639 : memref<80xi32, #tpu.memory_space<vmem>>)
        %dma_start3A_641 = arith.constant 2 : i32
        %dma_start3A_642 = arith.constant 0 : i32
        %dma_start3A_643 = tpu.memref_slice %arg6[%dma_start3A_641, %dma_start3A_642] : memref<8x80xi32, #tpu.memory_space<vmem>> -> memref<1x80xi32, #tpu.memory_space<vmem>>
        %dma_start3A_644 = tpu.memref_squeeze %dma_start3A_643 : memref<1x80xi32, #tpu.memory_space<vmem>> -> memref<80xi32, #tpu.memory_space<vmem>>
        %dma_start3A_645 = arith.constant 0 : i32
        %dma_start3A_646 = arith.constant 0 : i32
        %dma_start3A_647 = tpu.memref_slice %arg2[%dma_start3A_645, %dma_start3A_646] : memref<10000x128xf32, #tpu.memory_space<hbm>> -> memref<10000x128xf32, #tpu.memory_space<hbm>>
        tpu.enqueue_indirect_dma source(%dma_start3A_647 : memref<10000x128xf32, #tpu.memory_space<hbm>>) target(%arg9 : memref<80x128xf32, #tpu.memory_space<vmem>>) offsets(%dma_start3A_644 : memref<80xi32, #tpu.memory_space<vmem>>) semaphore(%arg14 : memref<!tpu.dma_semaphore, #tpu.memory_space<semaphore_mem>>)
      } else {
      }
      %add3A_549 = arith.constant 8 : i32
      %add3A_550 = arith.addi %add3A_533, %add3A_549 : i32
      %lt3A_551 = arith.constant 125 : i32
      %lt3A_552 = arith.cmpi slt, %add3A_550, %lt3A_551 : i32
      %convert_element_type3A_553 = arith.extui %lt3A_552 : i1 to i32
      %cond3A_554 = arith.constant 0 : i32
      %cond3A_555 = arith.cmpi ne, %convert_element_type3A_553, %cond3A_554 : i32
      scf.if %cond3A_555 {
        %add3A_616 = arith.constant 8 : i32
        %add3A_617 = arith.addi %add3A_533, %add3A_616 : i32
        %mul3A_618 = arith.constant 80 : i32
        %mul3A_619 = arith.muli %add3A_617, %mul3A_618 : i32
        %add3A_620 = arith.addi %mul3A_4, %mul3A_619 : i32
        %dma_start3A_621 = arith.constant 3 : i32
        %dma_start3A_622 = arith.constant 0 : i32
        %dma_start3A_623 = tpu.memref_slice %arg6[%dma_start3A_621, %dma_start3A_622] : memref<8x80xi32, #tpu.memory_space<vmem>> -> memref<1x80xi32, #tpu.memory_space<vmem>>
        %dma_start3A_624 = tpu.memref_squeeze %dma_start3A_623 : memref<1x80xi32, #tpu.memory_space<vmem>> -> memref<80xi32, #tpu.memory_space<vmem>>
        %dma_start3A_625 = tpu.memref_slice %arg3[%add3A_620] : memref<640000xi32, #tpu.memory_space<hbm>> -> memref<80xi32, #tpu.memory_space<hbm>>
        %dma_start3A_626 = arith.constant 0 : i32
        %dma_start3A_627 = tpu.memref_slice %arg6[%dma_start3A_621, %dma_start3A_626] : memref<8x80xi32, #tpu.memory_space<vmem>> -> memref<1x80xi32, #tpu.memory_space<vmem>>
        %dma_start3A_628 = tpu.memref_squeeze %dma_start3A_627 : memref<1x80xi32, #tpu.memory_space<vmem>> -> memref<80xi32, #tpu.memory_space<vmem>>
        %dma_start3A_629 = tpu.memref_slice %arg3[%add3A_620] : memref<640000xi32, #tpu.memory_space<hbm>> -> memref<80xi32, #tpu.memory_space<hbm>>
        tpu.enqueue_dma source(%dma_start3A_629 : memref<80xi32, #tpu.memory_space<hbm>>) target(%dma_start3A_628 : memref<80xi32, #tpu.memory_space<vmem>>) target_semaphore(%arg20 : memref<!tpu.dma_semaphore, #tpu.memory_space<semaphore_mem>>)
        %add3A_630 = arith.constant 320000 : i32
        %add3A_631 = arith.addi %add3A_630, %add3A_620 : i32
        %dma_start3A_632 = arith.constant 3 : i32
        %dma_start3A_633 = arith.constant 0 : i32
        %dma_start3A_634 = tpu.memref_slice %arg7[%dma_start3A_632, %dma_start3A_633] : memref<8x80xi32, #tpu.memory_space<vmem>> -> memref<1x80xi32, #tpu.memory_space<vmem>>
        %dma_start3A_635 = tpu.memref_squeeze %dma_start3A_634 : memref<1x80xi32, #tpu.memory_space<vmem>> -> memref<80xi32, #tpu.memory_space<vmem>>
        %dma_start3A_636 = tpu.memref_slice %arg3[%add3A_631] : memref<640000xi32, #tpu.memory_space<hbm>> -> memref<80xi32, #tpu.memory_space<hbm>>
        %dma_start3A_637 = arith.constant 0 : i32
        %dma_start3A_638 = tpu.memref_slice %arg7[%dma_start3A_632, %dma_start3A_637] : memref<8x80xi32, #tpu.memory_space<vmem>> -> memref<1x80xi32, #tpu.memory_space<vmem>>
        %dma_start3A_639 = tpu.memref_squeeze %dma_start3A_638 : memref<1x80xi32, #tpu.memory_space<vmem>> -> memref<80xi32, #tpu.memory_space<vmem>>
        %dma_start3A_640 = tpu.memref_slice %arg3[%add3A_631] : memref<640000xi32, #tpu.memory_space<hbm>> -> memref<80xi32, #tpu.memory_space<hbm>>
        tpu.enqueue_dma source(%dma_start3A_640 : memref<80xi32, #tpu.memory_space<hbm>>) target(%dma_start3A_639 : memref<80xi32, #tpu.memory_space<vmem>>) target_semaphore(%arg20 : memref<!tpu.dma_semaphore, #tpu.memory_space<semaphore_mem>>)
      } else {
      }
      %mul3A_556 = arith.constant 2 : i32
      %mul3A_557 = arith.muli %scan3A_375, %mul3A_556 : i32
      %add3A_558 = arith.constant 1 : i32
      %add3A_559 = arith.addi %mul3A_557, %add3A_558 : i32
      %mul3A_560 = arith.constant 4 : i32
      %mul3A_561 = arith.muli %add3A_559, %mul3A_560 : i32
      %add3A_562 = arith.constant 2 : i32
      %add3A_563 = arith.addi %mul3A_561, %add3A_562 : i32
      %dma_wait3A_564 = arith.constant 5 : i32
      %dma_wait3A_565 = arith.constant 0 : i32
      %dma_wait3A_566 = tpu.memref_slice %arg6[%dma_wait3A_564, %dma_wait3A_565] : memref<8x80xi32, #tpu.memory_space<vmem>> -> memref<1x80xi32, #tpu.memory_space<vmem>>
      %dma_wait3A_567 = tpu.memref_squeeze %dma_wait3A_566 : memref<1x80xi32, #tpu.memory_space<vmem>> -> memref<80xi32, #tpu.memory_space<vmem>>
      %dma_wait3A_568 = arith.constant 0 : i32
      %dma_wait3A_569 = arith.constant 0 : i32
      %dma_wait3A_570 = tpu.memref_slice %arg2[%dma_wait3A_568, %dma_wait3A_569] : memref<10000x128xf32, #tpu.memory_space<hbm>> -> memref<10000x128xf32, #tpu.memory_space<hbm>>
      tpu.wait_indirect_dma semaphore(%arg15 : memref<!tpu.dma_semaphore, #tpu.memory_space<semaphore_mem>>) src(%dma_wait3A_570 : memref<10000x128xf32, #tpu.memory_space<hbm>>) dst(%arg10 : memref<80x128xf32, #tpu.memory_space<vmem>>)
      %run_scoped3A_571 = arith.constant 5 : i32
      "tpu.region"() ({
        %run_scoped3A_616 = tpu.sem_alloc : memref<!tpu.dma_semaphore, #tpu.memory_space<semaphore_mem>>
        %dma_start3A_617 = arith.constant 0 : i32
        %dma_start3A_618 = tpu.memref_slice %arg7[%run_scoped3A_571, %dma_start3A_617] : memref<8x80xi32, #tpu.memory_space<vmem>> -> memref<1x80xi32, #tpu.memory_space<vmem>>
        %dma_start3A_619 = tpu.memref_squeeze %dma_start3A_618 : memref<1x80xi32, #tpu.memory_space<vmem>> -> memref<80xi32, #tpu.memory_space<vmem>>
        %dma_start3A_620 = arith.constant 0 : i32
        %dma_start3A_621 = arith.constant 0 : i32
        %dma_start3A_622 = tpu.memref_slice %arg12[%dma_start3A_620, %dma_start3A_621] : memref<10240x128xf32, #tpu.memory_space<vmem_shared>> -> memref<10240x128xf32, #tpu.memory_space<vmem_shared>>
        tpu.enqueue_indirect_dma source(%arg10 : memref<80x128xf32, #tpu.memory_space<vmem>>) target(%dma_start3A_622 : memref<10240x128xf32, #tpu.memory_space<vmem_shared>>) offsets(%dma_start3A_619 : memref<80xi32, #tpu.memory_space<vmem>>) semaphore(%run_scoped3A_616 : memref<!tpu.dma_semaphore, #tpu.memory_space<semaphore_mem>>) {add = true}
        %dma_wait3A_623 = arith.constant 0 : i32
        %dma_wait3A_624 = tpu.memref_slice %arg7[%run_scoped3A_571, %dma_wait3A_623] : memref<8x80xi32, #tpu.memory_space<vmem>> -> memref<1x80xi32, #tpu.memory_space<vmem>>
        %dma_wait3A_625 = tpu.memref_squeeze %dma_wait3A_624 : memref<1x80xi32, #tpu.memory_space<vmem>> -> memref<80xi32, #tpu.memory_space<vmem>>
        %dma_wait3A_626 = arith.constant 0 : i32
        %dma_wait3A_627 = arith.constant 0 : i32
        %dma_wait3A_628 = tpu.memref_slice %arg12[%dma_wait3A_626, %dma_wait3A_627] : memref<10240x128xf32, #tpu.memory_space<vmem_shared>> -> memref<10240x128xf32, #tpu.memory_space<vmem_shared>>
        tpu.wait_indirect_dma semaphore(%run_scoped3A_616 : memref<!tpu.dma_semaphore, #tpu.memory_space<semaphore_mem>>) src(%arg10 : memref<80x128xf32, #tpu.memory_space<vmem>>) dst(%dma_wait3A_628 : memref<10240x128xf32, #tpu.memory_space<vmem_shared>>)
        tpu.yield
      }) : () -> ()
      %add3A_572 = arith.constant 4 : i32
      %add3A_573 = arith.addi %add3A_563, %add3A_572 : i32
      %lt3A_574 = arith.constant 125 : i32
      %lt3A_575 = arith.cmpi slt, %add3A_573, %lt3A_574 : i32
      %convert_element_type3A_576 = arith.extui %lt3A_575 : i1 to i32
      %cond3A_577 = arith.constant 0 : i32
      %cond3A_578 = arith.cmpi ne, %convert_element_type3A_576, %cond3A_577 : i32
      scf.if %cond3A_578 {
        %add3A_616 = arith.constant 4 : i32
        %add3A_617 = arith.addi %add3A_563, %add3A_616 : i32
        %mul3A_618 = arith.constant 80 : i32
        %mul3A_619 = arith.muli %add3A_617, %mul3A_618 : i32
        %add3A_620 = arith.addi %mul3A_4, %mul3A_619 : i32
        %dma_wait3A_621 = arith.constant 4 : i32
        %dma_wait3A_622 = arith.constant 0 : i32
        %dma_wait3A_623 = tpu.memref_slice %arg6[%dma_wait3A_621, %dma_wait3A_622] : memref<8x80xi32, #tpu.memory_space<vmem>> -> memref<1x80xi32, #tpu.memory_space<vmem>>
        %dma_wait3A_624 = tpu.memref_squeeze %dma_wait3A_623 : memref<1x80xi32, #tpu.memory_space<vmem>> -> memref<80xi32, #tpu.memory_space<vmem>>
        %dma_wait3A_625 = tpu.memref_slice %arg3[%add3A_620] : memref<640000xi32, #tpu.memory_space<hbm>> -> memref<80xi32, #tpu.memory_space<hbm>>
        %dma_wait3A_626 = arith.constant 0 : i32
        %dma_wait3A_627 = tpu.memref_slice %arg6[%dma_wait3A_621, %dma_wait3A_626] : memref<8x80xi32, #tpu.memory_space<vmem>> -> memref<1x80xi32, #tpu.memory_space<vmem>>
        %dma_wait3A_628 = tpu.memref_squeeze %dma_wait3A_627 : memref<1x80xi32, #tpu.memory_space<vmem>> -> memref<80xi32, #tpu.memory_space<vmem>>
        %dma_wait3A_629 = tpu.memref_slice %arg3[%add3A_620] : memref<640000xi32, #tpu.memory_space<hbm>> -> memref<80xi32, #tpu.memory_space<hbm>>
        tpu.wait_dma2 semaphore(%arg21 : memref<!tpu.dma_semaphore, #tpu.memory_space<semaphore_mem>>) src(%dma_wait3A_629 : memref<80xi32, #tpu.memory_space<hbm>>) dst(%dma_wait3A_628 : memref<80xi32, #tpu.memory_space<vmem>>)
        %add3A_630 = arith.constant 320000 : i32
        %add3A_631 = arith.addi %add3A_630, %add3A_620 : i32
        %dma_wait3A_632 = arith.constant 4 : i32
        %dma_wait3A_633 = arith.constant 0 : i32
        %dma_wait3A_634 = tpu.memref_slice %arg7[%dma_wait3A_632, %dma_wait3A_633] : memref<8x80xi32, #tpu.memory_space<vmem>> -> memref<1x80xi32, #tpu.memory_space<vmem>>
        %dma_wait3A_635 = tpu.memref_squeeze %dma_wait3A_634 : memref<1x80xi32, #tpu.memory_space<vmem>> -> memref<80xi32, #tpu.memory_space<vmem>>
        %dma_wait3A_636 = tpu.memref_slice %arg3[%add3A_631] : memref<640000xi32, #tpu.memory_space<hbm>> -> memref<80xi32, #tpu.memory_space<hbm>>
        %dma_wait3A_637 = arith.constant 0 : i32
        %dma_wait3A_638 = tpu.memref_slice %arg7[%dma_wait3A_632, %dma_wait3A_637] : memref<8x80xi32, #tpu.memory_space<vmem>> -> memref<1x80xi32, #tpu.memory_space<vmem>>
        %dma_wait3A_639 = tpu.memref_squeeze %dma_wait3A_638 : memref<1x80xi32, #tpu.memory_space<vmem>> -> memref<80xi32, #tpu.memory_space<vmem>>
        %dma_wait3A_640 = tpu.memref_slice %arg3[%add3A_631] : memref<640000xi32, #tpu.memory_space<hbm>> -> memref<80xi32, #tpu.memory_space<hbm>>
        tpu.wait_dma2 semaphore(%arg21 : memref<!tpu.dma_semaphore, #tpu.memory_space<semaphore_mem>>) src(%dma_wait3A_640 : memref<80xi32, #tpu.memory_space<hbm>>) dst(%dma_wait3A_639 : memref<80xi32, #tpu.memory_space<vmem>>)
        %dma_start3A_641 = arith.constant 4 : i32
        %dma_start3A_642 = arith.constant 0 : i32
        %dma_start3A_643 = tpu.memref_slice %arg6[%dma_start3A_641, %dma_start3A_642] : memref<8x80xi32, #tpu.memory_space<vmem>> -> memref<1x80xi32, #tpu.memory_space<vmem>>
        %dma_start3A_644 = tpu.memref_squeeze %dma_start3A_643 : memref<1x80xi32, #tpu.memory_space<vmem>> -> memref<80xi32, #tpu.memory_space<vmem>>
        %dma_start3A_645 = arith.constant 0 : i32
        %dma_start3A_646 = arith.constant 0 : i32
        %dma_start3A_647 = tpu.memref_slice %arg2[%dma_start3A_645, %dma_start3A_646] : memref<10000x128xf32, #tpu.memory_space<hbm>> -> memref<10000x128xf32, #tpu.memory_space<hbm>>
        tpu.enqueue_indirect_dma source(%dma_start3A_647 : memref<10000x128xf32, #tpu.memory_space<hbm>>) target(%arg10 : memref<80x128xf32, #tpu.memory_space<vmem>>) offsets(%dma_start3A_644 : memref<80xi32, #tpu.memory_space<vmem>>) semaphore(%arg15 : memref<!tpu.dma_semaphore, #tpu.memory_space<semaphore_mem>>)
      } else {
      }
      %add3A_579 = arith.constant 8 : i32
      %add3A_580 = arith.addi %add3A_563, %add3A_579 : i32
      %lt3A_581 = arith.constant 125 : i32
      %lt3A_582 = arith.cmpi slt, %add3A_580, %lt3A_581 : i32
      %convert_element_type3A_583 = arith.extui %lt3A_582 : i1 to i32
      %cond3A_584 = arith.constant 0 : i32
      %cond3A_585 = arith.cmpi ne, %convert_element_type3A_583, %cond3A_584 : i32
      scf.if %cond3A_585 {
        %add3A_616 = arith.constant 8 : i32
        %add3A_617 = arith.addi %add3A_563, %add3A_616 : i32
        %mul3A_618 = arith.constant 80 : i32
        %mul3A_619 = arith.muli %add3A_617, %mul3A_618 : i32
        %add3A_620 = arith.addi %mul3A_4, %mul3A_619 : i32
        %dma_start3A_621 = arith.constant 5 : i32
        %dma_start3A_622 = arith.constant 0 : i32
        %dma_start3A_623 = tpu.memref_slice %arg6[%dma_start3A_621, %dma_start3A_622] : memref<8x80xi32, #tpu.memory_space<vmem>> -> memref<1x80xi32, #tpu.memory_space<vmem>>
        %dma_start3A_624 = tpu.memref_squeeze %dma_start3A_623 : memref<1x80xi32, #tpu.memory_space<vmem>> -> memref<80xi32, #tpu.memory_space<vmem>>
        %dma_start3A_625 = tpu.memref_slice %arg3[%add3A_620] : memref<640000xi32, #tpu.memory_space<hbm>> -> memref<80xi32, #tpu.memory_space<hbm>>
        %dma_start3A_626 = arith.constant 0 : i32
        %dma_start3A_627 = tpu.memref_slice %arg6[%dma_start3A_621, %dma_start3A_626] : memref<8x80xi32, #tpu.memory_space<vmem>> -> memref<1x80xi32, #tpu.memory_space<vmem>>
        %dma_start3A_628 = tpu.memref_squeeze %dma_start3A_627 : memref<1x80xi32, #tpu.memory_space<vmem>> -> memref<80xi32, #tpu.memory_space<vmem>>
        %dma_start3A_629 = tpu.memref_slice %arg3[%add3A_620] : memref<640000xi32, #tpu.memory_space<hbm>> -> memref<80xi32, #tpu.memory_space<hbm>>
        tpu.enqueue_dma source(%dma_start3A_629 : memref<80xi32, #tpu.memory_space<hbm>>) target(%dma_start3A_628 : memref<80xi32, #tpu.memory_space<vmem>>) target_semaphore(%arg22 : memref<!tpu.dma_semaphore, #tpu.memory_space<semaphore_mem>>)
        %add3A_630 = arith.constant 320000 : i32
        %add3A_631 = arith.addi %add3A_630, %add3A_620 : i32
        %dma_start3A_632 = arith.constant 5 : i32
        %dma_start3A_633 = arith.constant 0 : i32
        %dma_start3A_634 = tpu.memref_slice %arg7[%dma_start3A_632, %dma_start3A_633] : memref<8x80xi32, #tpu.memory_space<vmem>> -> memref<1x80xi32, #tpu.memory_space<vmem>>
        %dma_start3A_635 = tpu.memref_squeeze %dma_start3A_634 : memref<1x80xi32, #tpu.memory_space<vmem>> -> memref<80xi32, #tpu.memory_space<vmem>>
        %dma_start3A_636 = tpu.memref_slice %arg3[%add3A_631] : memref<640000xi32, #tpu.memory_space<hbm>> -> memref<80xi32, #tpu.memory_space<hbm>>
        %dma_start3A_637 = arith.constant 0 : i32
        %dma_start3A_638 = tpu.memref_slice %arg7[%dma_start3A_632, %dma_start3A_637] : memref<8x80xi32, #tpu.memory_space<vmem>> -> memref<1x80xi32, #tpu.memory_space<vmem>>
        %dma_start3A_639 = tpu.memref_squeeze %dma_start3A_638 : memref<1x80xi32, #tpu.memory_space<vmem>> -> memref<80xi32, #tpu.memory_space<vmem>>
        %dma_start3A_640 = tpu.memref_slice %arg3[%add3A_631] : memref<640000xi32, #tpu.memory_space<hbm>> -> memref<80xi32, #tpu.memory_space<hbm>>
        tpu.enqueue_dma source(%dma_start3A_640 : memref<80xi32, #tpu.memory_space<hbm>>) target(%dma_start3A_639 : memref<80xi32, #tpu.memory_space<vmem>>) target_semaphore(%arg22 : memref<!tpu.dma_semaphore, #tpu.memory_space<semaphore_mem>>)
      } else {
      }
      %mul3A_586 = arith.constant 2 : i32
      %mul3A_587 = arith.muli %scan3A_375, %mul3A_586 : i32
      %add3A_588 = arith.constant 1 : i32
      %add3A_589 = arith.addi %mul3A_587, %add3A_588 : i32
      %mul3A_590 = arith.constant 4 : i32
      %mul3A_591 = arith.muli %add3A_589, %mul3A_590 : i32
      %add3A_592 = arith.constant 3 : i32
      %add3A_593 = arith.addi %mul3A_591, %add3A_592 : i32
      %dma_wait3A_594 = arith.constant 7 : i32
      %dma_wait3A_595 = arith.constant 0 : i32
      %dma_wait3A_596 = tpu.memref_slice %arg6[%dma_wait3A_594, %dma_wait3A_595] : memref<8x80xi32, #tpu.memory_space<vmem>> -> memref<1x80xi32, #tpu.memory_space<vmem>>
      %dma_wait3A_597 = tpu.memref_squeeze %dma_wait3A_596 : memref<1x80xi32, #tpu.memory_space<vmem>> -> memref<80xi32, #tpu.memory_space<vmem>>
      %dma_wait3A_598 = arith.constant 0 : i32
      %dma_wait3A_599 = arith.constant 0 : i32
      %dma_wait3A_600 = tpu.memref_slice %arg2[%dma_wait3A_598, %dma_wait3A_599] : memref<10000x128xf32, #tpu.memory_space<hbm>> -> memref<10000x128xf32, #tpu.memory_space<hbm>>
      tpu.wait_indirect_dma semaphore(%arg16 : memref<!tpu.dma_semaphore, #tpu.memory_space<semaphore_mem>>) src(%dma_wait3A_600 : memref<10000x128xf32, #tpu.memory_space<hbm>>) dst(%arg11 : memref<80x128xf32, #tpu.memory_space<vmem>>)
      %run_scoped3A_601 = arith.constant 7 : i32
      "tpu.region"() ({
        %run_scoped3A_616 = tpu.sem_alloc : memref<!tpu.dma_semaphore, #tpu.memory_space<semaphore_mem>>
        %dma_start3A_617 = arith.constant 0 : i32
        %dma_start3A_618 = tpu.memref_slice %arg7[%run_scoped3A_601, %dma_start3A_617] : memref<8x80xi32, #tpu.memory_space<vmem>> -> memref<1x80xi32, #tpu.memory_space<vmem>>
        %dma_start3A_619 = tpu.memref_squeeze %dma_start3A_618 : memref<1x80xi32, #tpu.memory_space<vmem>> -> memref<80xi32, #tpu.memory_space<vmem>>
        %dma_start3A_620 = arith.constant 0 : i32
        %dma_start3A_621 = arith.constant 0 : i32
        %dma_start3A_622 = tpu.memref_slice %arg12[%dma_start3A_620, %dma_start3A_621] : memref<10240x128xf32, #tpu.memory_space<vmem_shared>> -> memref<10240x128xf32, #tpu.memory_space<vmem_shared>>
        tpu.enqueue_indirect_dma source(%arg11 : memref<80x128xf32, #tpu.memory_space<vmem>>) target(%dma_start3A_622 : memref<10240x128xf32, #tpu.memory_space<vmem_shared>>) offsets(%dma_start3A_619 : memref<80xi32, #tpu.memory_space<vmem>>) semaphore(%run_scoped3A_616 : memref<!tpu.dma_semaphore, #tpu.memory_space<semaphore_mem>>) {add = true}
        %dma_wait3A_623 = arith.constant 0 : i32
        %dma_wait3A_624 = tpu.memref_slice %arg7[%run_scoped3A_601, %dma_wait3A_623] : memref<8x80xi32, #tpu.memory_space<vmem>> -> memref<1x80xi32, #tpu.memory_space<vmem>>
        %dma_wait3A_625 = tpu.memref_squeeze %dma_wait3A_624 : memref<1x80xi32, #tpu.memory_space<vmem>> -> memref<80xi32, #tpu.memory_space<vmem>>
        %dma_wait3A_626 = arith.constant 0 : i32
        %dma_wait3A_627 = arith.constant 0 : i32
        %dma_wait3A_628 = tpu.memref_slice %arg12[%dma_wait3A_626, %dma_wait3A_627] : memref<10240x128xf32, #tpu.memory_space<vmem_shared>> -> memref<10240x128xf32, #tpu.memory_space<vmem_shared>>
        tpu.wait_indirect_dma semaphore(%run_scoped3A_616 : memref<!tpu.dma_semaphore, #tpu.memory_space<semaphore_mem>>) src(%arg11 : memref<80x128xf32, #tpu.memory_space<vmem>>) dst(%dma_wait3A_628 : memref<10240x128xf32, #tpu.memory_space<vmem_shared>>)
        tpu.yield
      }) : () -> ()
      %add3A_602 = arith.constant 4 : i32
      %add3A_603 = arith.addi %add3A_593, %add3A_602 : i32
      %lt3A_604 = arith.constant 125 : i32
      %lt3A_605 = arith.cmpi slt, %add3A_603, %lt3A_604 : i32
      %convert_element_type3A_606 = arith.extui %lt3A_605 : i1 to i32
      %cond3A_607 = arith.constant 0 : i32
      %cond3A_608 = arith.cmpi ne, %convert_element_type3A_606, %cond3A_607 : i32
      scf.if %cond3A_608 {
        %add3A_616 = arith.constant 4 : i32
        %add3A_617 = arith.addi %add3A_593, %add3A_616 : i32
        %mul3A_618 = arith.constant 80 : i32
        %mul3A_619 = arith.muli %add3A_617, %mul3A_618 : i32
        %add3A_620 = arith.addi %mul3A_4, %mul3A_619 : i32
        %dma_wait3A_621 = arith.constant 6 : i32
        %dma_wait3A_622 = arith.constant 0 : i32
        %dma_wait3A_623 = tpu.memref_slice %arg6[%dma_wait3A_621, %dma_wait3A_622] : memref<8x80xi32, #tpu.memory_space<vmem>> -> memref<1x80xi32, #tpu.memory_space<vmem>>
        %dma_wait3A_624 = tpu.memref_squeeze %dma_wait3A_623 : memref<1x80xi32, #tpu.memory_space<vmem>> -> memref<80xi32, #tpu.memory_space<vmem>>
        %dma_wait3A_625 = tpu.memref_slice %arg3[%add3A_620] : memref<640000xi32, #tpu.memory_space<hbm>> -> memref<80xi32, #tpu.memory_space<hbm>>
        %dma_wait3A_626 = arith.constant 0 : i32
        %dma_wait3A_627 = tpu.memref_slice %arg6[%dma_wait3A_621, %dma_wait3A_626] : memref<8x80xi32, #tpu.memory_space<vmem>> -> memref<1x80xi32, #tpu.memory_space<vmem>>
        %dma_wait3A_628 = tpu.memref_squeeze %dma_wait3A_627 : memref<1x80xi32, #tpu.memory_space<vmem>> -> memref<80xi32, #tpu.memory_space<vmem>>
        %dma_wait3A_629 = tpu.memref_slice %arg3[%add3A_620] : memref<640000xi32, #tpu.memory_space<hbm>> -> memref<80xi32, #tpu.memory_space<hbm>>
        tpu.wait_dma2 semaphore(%arg23 : memref<!tpu.dma_semaphore, #tpu.memory_space<semaphore_mem>>) src(%dma_wait3A_629 : memref<80xi32, #tpu.memory_space<hbm>>) dst(%dma_wait3A_628 : memref<80xi32, #tpu.memory_space<vmem>>)
        %add3A_630 = arith.constant 320000 : i32
        %add3A_631 = arith.addi %add3A_630, %add3A_620 : i32
        %dma_wait3A_632 = arith.constant 6 : i32
        %dma_wait3A_633 = arith.constant 0 : i32
        %dma_wait3A_634 = tpu.memref_slice %arg7[%dma_wait3A_632, %dma_wait3A_633] : memref<8x80xi32, #tpu.memory_space<vmem>> -> memref<1x80xi32, #tpu.memory_space<vmem>>
        %dma_wait3A_635 = tpu.memref_squeeze %dma_wait3A_634 : memref<1x80xi32, #tpu.memory_space<vmem>> -> memref<80xi32, #tpu.memory_space<vmem>>
        %dma_wait3A_636 = tpu.memref_slice %arg3[%add3A_631] : memref<640000xi32, #tpu.memory_space<hbm>> -> memref<80xi32, #tpu.memory_space<hbm>>
        %dma_wait3A_637 = arith.constant 0 : i32
        %dma_wait3A_638 = tpu.memref_slice %arg7[%dma_wait3A_632, %dma_wait3A_637] : memref<8x80xi32, #tpu.memory_space<vmem>> -> memref<1x80xi32, #tpu.memory_space<vmem>>
        %dma_wait3A_639 = tpu.memref_squeeze %dma_wait3A_638 : memref<1x80xi32, #tpu.memory_space<vmem>> -> memref<80xi32, #tpu.memory_space<vmem>>
        %dma_wait3A_640 = tpu.memref_slice %arg3[%add3A_631] : memref<640000xi32, #tpu.memory_space<hbm>> -> memref<80xi32, #tpu.memory_space<hbm>>
        tpu.wait_dma2 semaphore(%arg23 : memref<!tpu.dma_semaphore, #tpu.memory_space<semaphore_mem>>) src(%dma_wait3A_640 : memref<80xi32, #tpu.memory_space<hbm>>) dst(%dma_wait3A_639 : memref<80xi32, #tpu.memory_space<vmem>>)
        %dma_start3A_641 = arith.constant 6 : i32
        %dma_start3A_642 = arith.constant 0 : i32
        %dma_start3A_643 = tpu.memref_slice %arg6[%dma_start3A_641, %dma_start3A_642] : memref<8x80xi32, #tpu.memory_space<vmem>> -> memref<1x80xi32, #tpu.memory_space<vmem>>
        %dma_start3A_644 = tpu.memref_squeeze %dma_start3A_643 : memref<1x80xi32, #tpu.memory_space<vmem>> -> memref<80xi32, #tpu.memory_space<vmem>>
        %dma_start3A_645 = arith.constant 0 : i32
        %dma_start3A_646 = arith.constant 0 : i32
        %dma_start3A_647 = tpu.memref_slice %arg2[%dma_start3A_645, %dma_start3A_646] : memref<10000x128xf32, #tpu.memory_space<hbm>> -> memref<10000x128xf32, #tpu.memory_space<hbm>>
        tpu.enqueue_indirect_dma source(%dma_start3A_647 : memref<10000x128xf32, #tpu.memory_space<hbm>>) target(%arg11 : memref<80x128xf32, #tpu.memory_space<vmem>>) offsets(%dma_start3A_644 : memref<80xi32, #tpu.memory_space<vmem>>) semaphore(%arg16 : memref<!tpu.dma_semaphore, #tpu.memory_space<semaphore_mem>>)
      } else {
      }
      %add3A_609 = arith.constant 8 : i32
      %add3A_610 = arith.addi %add3A_593, %add3A_609 : i32
      %lt3A_611 = arith.constant 125 : i32
      %lt3A_612 = arith.cmpi slt, %add3A_610, %lt3A_611 : i32
      %convert_element_type3A_613 = arith.extui %lt3A_612 : i1 to i32
      %cond3A_614 = arith.constant 0 : i32
      %cond3A_615 = arith.cmpi ne, %convert_element_type3A_613, %cond3A_614 : i32
      scf.if %cond3A_615 {
        %add3A_616 = arith.constant 8 : i32
        %add3A_617 = arith.addi %add3A_593, %add3A_616 : i32
        %mul3A_618 = arith.constant 80 : i32
        %mul3A_619 = arith.muli %add3A_617, %mul3A_618 : i32
        %add3A_620 = arith.addi %mul3A_4, %mul3A_619 : i32
        %dma_start3A_621 = arith.constant 7 : i32
        %dma_start3A_622 = arith.constant 0 : i32
        %dma_start3A_623 = tpu.memref_slice %arg6[%dma_start3A_621, %dma_start3A_622] : memref<8x80xi32, #tpu.memory_space<vmem>> -> memref<1x80xi32, #tpu.memory_space<vmem>>
        %dma_start3A_624 = tpu.memref_squeeze %dma_start3A_623 : memref<1x80xi32, #tpu.memory_space<vmem>> -> memref<80xi32, #tpu.memory_space<vmem>>
        %dma_start3A_625 = tpu.memref_slice %arg3[%add3A_620] : memref<640000xi32, #tpu.memory_space<hbm>> -> memref<80xi32, #tpu.memory_space<hbm>>
        %dma_start3A_626 = arith.constant 0 : i32
        %dma_start3A_627 = tpu.memref_slice %arg6[%dma_start3A_621, %dma_start3A_626] : memref<8x80xi32, #tpu.memory_space<vmem>> -> memref<1x80xi32, #tpu.memory_space<vmem>>
        %dma_start3A_628 = tpu.memref_squeeze %dma_start3A_627 : memref<1x80xi32, #tpu.memory_space<vmem>> -> memref<80xi32, #tpu.memory_space<vmem>>
        %dma_start3A_629 = tpu.memref_slice %arg3[%add3A_620] : memref<640000xi32, #tpu.memory_space<hbm>> -> memref<80xi32, #tpu.memory_space<hbm>>
        tpu.enqueue_dma source(%dma_start3A_629 : memref<80xi32, #tpu.memory_space<hbm>>) target(%dma_start3A_628 : memref<80xi32, #tpu.memory_space<vmem>>) target_semaphore(%arg24 : memref<!tpu.dma_semaphore, #tpu.memory_space<semaphore_mem>>)
        %add3A_630 = arith.constant 320000 : i32
        %add3A_631 = arith.addi %add3A_630, %add3A_620 : i32
        %dma_start3A_632 = arith.constant 7 : i32
        %dma_start3A_633 = arith.constant 0 : i32
        %dma_start3A_634 = tpu.memref_slice %arg7[%dma_start3A_632, %dma_start3A_633] : memref<8x80xi32, #tpu.memory_space<vmem>> -> memref<1x80xi32, #tpu.memory_space<vmem>>
        %dma_start3A_635 = tpu.memref_squeeze %dma_start3A_634 : memref<1x80xi32, #tpu.memory_space<vmem>> -> memref<80xi32, #tpu.memory_space<vmem>>
        %dma_start3A_636 = tpu.memref_slice %arg3[%add3A_631] : memref<640000xi32, #tpu.memory_space<hbm>> -> memref<80xi32, #tpu.memory_space<hbm>>
        %dma_start3A_637 = arith.constant 0 : i32
        %dma_start3A_638 = tpu.memref_slice %arg7[%dma_start3A_632, %dma_start3A_637] : memref<8x80xi32, #tpu.memory_space<vmem>> -> memref<1x80xi32, #tpu.memory_space<vmem>>
        %dma_start3A_639 = tpu.memref_squeeze %dma_start3A_638 : memref<1x80xi32, #tpu.memory_space<vmem>> -> memref<80xi32, #tpu.memory_space<vmem>>
        %dma_start3A_640 = tpu.memref_slice %arg3[%add3A_631] : memref<640000xi32, #tpu.memory_space<hbm>> -> memref<80xi32, #tpu.memory_space<hbm>>
        tpu.enqueue_dma source(%dma_start3A_640 : memref<80xi32, #tpu.memory_space<hbm>>) target(%dma_start3A_639 : memref<80xi32, #tpu.memory_space<vmem>>) target_semaphore(%arg24 : memref<!tpu.dma_semaphore, #tpu.memory_space<semaphore_mem>>)
      } else {
      }
    }
    %scan3A_299 = arith.constant 15 : i32
    %dma_wait3A_300 = arith.constant 0 : i32
    %dma_wait3A_301 = arith.constant 0 : i32
    %dma_wait3A_302 = tpu.memref_slice %arg6[%dma_wait3A_300, %dma_wait3A_301] : memref<8x80xi32, #tpu.memory_space<vmem>> -> memref<1x80xi32, #tpu.memory_space<vmem>>
    %dma_wait3A_303 = tpu.memref_squeeze %dma_wait3A_302 : memref<1x80xi32, #tpu.memory_space<vmem>> -> memref<80xi32, #tpu.memory_space<vmem>>
    %dma_wait3A_304 = arith.constant 0 : i32
    %dma_wait3A_305 = arith.constant 0 : i32
    %dma_wait3A_306 = tpu.memref_slice %arg2[%dma_wait3A_304, %dma_wait3A_305] : memref<10000x128xf32, #tpu.memory_space<hbm>> -> memref<10000x128xf32, #tpu.memory_space<hbm>>
    tpu.wait_indirect_dma semaphore(%arg13 : memref<!tpu.dma_semaphore, #tpu.memory_space<semaphore_mem>>) src(%dma_wait3A_306 : memref<10000x128xf32, #tpu.memory_space<hbm>>) dst(%arg8 : memref<80x128xf32, #tpu.memory_space<vmem>>)
    %run_scoped3A = arith.constant 0 : i32
    "tpu.region"() ({
      %run_scoped3A_375 = tpu.sem_alloc : memref<!tpu.dma_semaphore, #tpu.memory_space<semaphore_mem>>
      %dma_start3A_376 = arith.constant 0 : i32
      %dma_start3A_377 = tpu.memref_slice %arg7[%run_scoped3A, %dma_start3A_376] : memref<8x80xi32, #tpu.memory_space<vmem>> -> memref<1x80xi32, #tpu.memory_space<vmem>>
      %dma_start3A_378 = tpu.memref_squeeze %dma_start3A_377 : memref<1x80xi32, #tpu.memory_space<vmem>> -> memref<80xi32, #tpu.memory_space<vmem>>
      %dma_start3A_379 = arith.constant 0 : i32
      %dma_start3A_380 = arith.constant 0 : i32
      %dma_start3A_381 = tpu.memref_slice %arg12[%dma_start3A_379, %dma_start3A_380] : memref<10240x128xf32, #tpu.memory_space<vmem_shared>> -> memref<10240x128xf32, #tpu.memory_space<vmem_shared>>
      tpu.enqueue_indirect_dma source(%arg8 : memref<80x128xf32, #tpu.memory_space<vmem>>) target(%dma_start3A_381 : memref<10240x128xf32, #tpu.memory_space<vmem_shared>>) offsets(%dma_start3A_378 : memref<80xi32, #tpu.memory_space<vmem>>) semaphore(%run_scoped3A_375 : memref<!tpu.dma_semaphore, #tpu.memory_space<semaphore_mem>>) {add = true}
      %dma_wait3A_382 = arith.constant 0 : i32
      %dma_wait3A_383 = tpu.memref_slice %arg7[%run_scoped3A, %dma_wait3A_382] : memref<8x80xi32, #tpu.memory_space<vmem>> -> memref<1x80xi32, #tpu.memory_space<vmem>>
      %dma_wait3A_384 = tpu.memref_squeeze %dma_wait3A_383 : memref<1x80xi32, #tpu.memory_space<vmem>> -> memref<80xi32, #tpu.memory_space<vmem>>
      %dma_wait3A_385 = arith.constant 0 : i32
      %dma_wait3A_386 = arith.constant 0 : i32
      %dma_wait3A_387 = tpu.memref_slice %arg12[%dma_wait3A_385, %dma_wait3A_386] : memref<10240x128xf32, #tpu.memory_space<vmem_shared>> -> memref<10240x128xf32, #tpu.memory_space<vmem_shared>>
      tpu.wait_indirect_dma semaphore(%run_scoped3A_375 : memref<!tpu.dma_semaphore, #tpu.memory_space<semaphore_mem>>) src(%arg8 : memref<80x128xf32, #tpu.memory_space<vmem>>) dst(%dma_wait3A_387 : memref<10240x128xf32, #tpu.memory_space<vmem_shared>>)
      tpu.yield
    }) : () -> ()
    %add3A_307 = arith.constant 9920 : i32
    %add3A_308 = arith.addi %mul3A_4, %add3A_307 : i32
    %dma_wait3A_309 = arith.constant 1 : i32
    %dma_wait3A_310 = arith.constant 0 : i32
    %dma_wait3A_311 = tpu.memref_slice %arg6[%dma_wait3A_309, %dma_wait3A_310] : memref<8x80xi32, #tpu.memory_space<vmem>> -> memref<1x80xi32, #tpu.memory_space<vmem>>
    %dma_wait3A_312 = tpu.memref_squeeze %dma_wait3A_311 : memref<1x80xi32, #tpu.memory_space<vmem>> -> memref<80xi32, #tpu.memory_space<vmem>>
    %dma_wait3A_313 = tpu.memref_slice %arg3[%add3A_308] : memref<640000xi32, #tpu.memory_space<hbm>> -> memref<80xi32, #tpu.memory_space<hbm>>
    %dma_wait3A_314 = arith.constant 0 : i32
    %dma_wait3A_315 = tpu.memref_slice %arg6[%dma_wait3A_309, %dma_wait3A_314] : memref<8x80xi32, #tpu.memory_space<vmem>> -> memref<1x80xi32, #tpu.memory_space<vmem>>
    %dma_wait3A_316 = tpu.memref_squeeze %dma_wait3A_315 : memref<1x80xi32, #tpu.memory_space<vmem>> -> memref<80xi32, #tpu.memory_space<vmem>>
    %dma_wait3A_317 = tpu.memref_slice %arg3[%add3A_308] : memref<640000xi32, #tpu.memory_space<hbm>> -> memref<80xi32, #tpu.memory_space<hbm>>
    tpu.wait_dma2 semaphore(%arg18 : memref<!tpu.dma_semaphore, #tpu.memory_space<semaphore_mem>>) src(%dma_wait3A_317 : memref<80xi32, #tpu.memory_space<hbm>>) dst(%dma_wait3A_316 : memref<80xi32, #tpu.memory_space<vmem>>)
    %add3A_318 = arith.constant 320000 : i32
    %add3A_319 = arith.addi %add3A_318, %add3A_308 : i32
    %dma_wait3A_320 = arith.constant 1 : i32
    %dma_wait3A_321 = arith.constant 0 : i32
    %dma_wait3A_322 = tpu.memref_slice %arg7[%dma_wait3A_320, %dma_wait3A_321] : memref<8x80xi32, #tpu.memory_space<vmem>> -> memref<1x80xi32, #tpu.memory_space<vmem>>
    %dma_wait3A_323 = tpu.memref_squeeze %dma_wait3A_322 : memref<1x80xi32, #tpu.memory_space<vmem>> -> memref<80xi32, #tpu.memory_space<vmem>>
    %dma_wait3A_324 = tpu.memref_slice %arg3[%add3A_319] : memref<640000xi32, #tpu.memory_space<hbm>> -> memref<80xi32, #tpu.memory_space<hbm>>
    %dma_wait3A_325 = arith.constant 0 : i32
    %dma_wait3A_326 = tpu.memref_slice %arg7[%dma_wait3A_320, %dma_wait3A_325] : memref<8x80xi32, #tpu.memory_space<vmem>> -> memref<1x80xi32, #tpu.memory_space<vmem>>
    %dma_wait3A_327 = tpu.memref_squeeze %dma_wait3A_326 : memref<1x80xi32, #tpu.memory_space<vmem>> -> memref<80xi32, #tpu.memory_space<vmem>>
    %dma_wait3A_328 = tpu.memref_slice %arg3[%add3A_319] : memref<640000xi32, #tpu.memory_space<hbm>> -> memref<80xi32, #tpu.memory_space<hbm>>
    tpu.wait_dma2 semaphore(%arg18 : memref<!tpu.dma_semaphore, #tpu.memory_space<semaphore_mem>>) src(%dma_wait3A_328 : memref<80xi32, #tpu.memory_space<hbm>>) dst(%dma_wait3A_327 : memref<80xi32, #tpu.memory_space<vmem>>)
    %dma_start3A_329 = arith.constant 1 : i32
    %dma_start3A_330 = arith.constant 0 : i32
    %dma_start3A_331 = tpu.memref_slice %arg6[%dma_start3A_329, %dma_start3A_330] : memref<8x80xi32, #tpu.memory_space<vmem>> -> memref<1x80xi32, #tpu.memory_space<vmem>>
    %dma_start3A_332 = tpu.memref_squeeze %dma_start3A_331 : memref<1x80xi32, #tpu.memory_space<vmem>> -> memref<80xi32, #tpu.memory_space<vmem>>
    %dma_start3A_333 = arith.constant 0 : i32
    %dma_start3A_334 = arith.constant 0 : i32
    %dma_start3A_335 = tpu.memref_slice %arg2[%dma_start3A_333, %dma_start3A_334] : memref<10000x128xf32, #tpu.memory_space<hbm>> -> memref<10000x128xf32, #tpu.memory_space<hbm>>
    tpu.enqueue_indirect_dma source(%dma_start3A_335 : memref<10000x128xf32, #tpu.memory_space<hbm>>) target(%arg8 : memref<80x128xf32, #tpu.memory_space<vmem>>) offsets(%dma_start3A_332 : memref<80xi32, #tpu.memory_space<vmem>>) semaphore(%arg13 : memref<!tpu.dma_semaphore, #tpu.memory_space<semaphore_mem>>)
    %dma_wait3A_336 = arith.constant 2 : i32
    %dma_wait3A_337 = arith.constant 0 : i32
    %dma_wait3A_338 = tpu.memref_slice %arg6[%dma_wait3A_336, %dma_wait3A_337] : memref<8x80xi32, #tpu.memory_space<vmem>> -> memref<1x80xi32, #tpu.memory_space<vmem>>
    %dma_wait3A_339 = tpu.memref_squeeze %dma_wait3A_338 : memref<1x80xi32, #tpu.memory_space<vmem>> -> memref<80xi32, #tpu.memory_space<vmem>>
    %dma_wait3A_340 = arith.constant 0 : i32
    %dma_wait3A_341 = arith.constant 0 : i32
    %dma_wait3A_342 = tpu.memref_slice %arg2[%dma_wait3A_340, %dma_wait3A_341] : memref<10000x128xf32, #tpu.memory_space<hbm>> -> memref<10000x128xf32, #tpu.memory_space<hbm>>
    tpu.wait_indirect_dma semaphore(%arg14 : memref<!tpu.dma_semaphore, #tpu.memory_space<semaphore_mem>>) src(%dma_wait3A_342 : memref<10000x128xf32, #tpu.memory_space<hbm>>) dst(%arg9 : memref<80x128xf32, #tpu.memory_space<vmem>>)
    %run_scoped3A_343 = arith.constant 2 : i32
    "tpu.region"() ({
      %run_scoped3A_375 = tpu.sem_alloc : memref<!tpu.dma_semaphore, #tpu.memory_space<semaphore_mem>>
      %dma_start3A_376 = arith.constant 0 : i32
      %dma_start3A_377 = tpu.memref_slice %arg7[%run_scoped3A_343, %dma_start3A_376] : memref<8x80xi32, #tpu.memory_space<vmem>> -> memref<1x80xi32, #tpu.memory_space<vmem>>
      %dma_start3A_378 = tpu.memref_squeeze %dma_start3A_377 : memref<1x80xi32, #tpu.memory_space<vmem>> -> memref<80xi32, #tpu.memory_space<vmem>>
      %dma_start3A_379 = arith.constant 0 : i32
      %dma_start3A_380 = arith.constant 0 : i32
      %dma_start3A_381 = tpu.memref_slice %arg12[%dma_start3A_379, %dma_start3A_380] : memref<10240x128xf32, #tpu.memory_space<vmem_shared>> -> memref<10240x128xf32, #tpu.memory_space<vmem_shared>>
      tpu.enqueue_indirect_dma source(%arg9 : memref<80x128xf32, #tpu.memory_space<vmem>>) target(%dma_start3A_381 : memref<10240x128xf32, #tpu.memory_space<vmem_shared>>) offsets(%dma_start3A_378 : memref<80xi32, #tpu.memory_space<vmem>>) semaphore(%run_scoped3A_375 : memref<!tpu.dma_semaphore, #tpu.memory_space<semaphore_mem>>) {add = true}
      %dma_wait3A_382 = arith.constant 0 : i32
      %dma_wait3A_383 = tpu.memref_slice %arg7[%run_scoped3A_343, %dma_wait3A_382] : memref<8x80xi32, #tpu.memory_space<vmem>> -> memref<1x80xi32, #tpu.memory_space<vmem>>
      %dma_wait3A_384 = tpu.memref_squeeze %dma_wait3A_383 : memref<1x80xi32, #tpu.memory_space<vmem>> -> memref<80xi32, #tpu.memory_space<vmem>>
      %dma_wait3A_385 = arith.constant 0 : i32
      %dma_wait3A_386 = arith.constant 0 : i32
      %dma_wait3A_387 = tpu.memref_slice %arg12[%dma_wait3A_385, %dma_wait3A_386] : memref<10240x128xf32, #tpu.memory_space<vmem_shared>> -> memref<10240x128xf32, #tpu.memory_space<vmem_shared>>
      tpu.wait_indirect_dma semaphore(%run_scoped3A_375 : memref<!tpu.dma_semaphore, #tpu.memory_space<semaphore_mem>>) src(%arg9 : memref<80x128xf32, #tpu.memory_space<vmem>>) dst(%dma_wait3A_387 : memref<10240x128xf32, #tpu.memory_space<vmem_shared>>)
      tpu.yield
    }) : () -> ()
    %dma_wait3A_344 = arith.constant 4 : i32
    %dma_wait3A_345 = arith.constant 0 : i32
    %dma_wait3A_346 = tpu.memref_slice %arg6[%dma_wait3A_344, %dma_wait3A_345] : memref<8x80xi32, #tpu.memory_space<vmem>> -> memref<1x80xi32, #tpu.memory_space<vmem>>
    %dma_wait3A_347 = tpu.memref_squeeze %dma_wait3A_346 : memref<1x80xi32, #tpu.memory_space<vmem>> -> memref<80xi32, #tpu.memory_space<vmem>>
    %dma_wait3A_348 = arith.constant 0 : i32
    %dma_wait3A_349 = arith.constant 0 : i32
    %dma_wait3A_350 = tpu.memref_slice %arg2[%dma_wait3A_348, %dma_wait3A_349] : memref<10000x128xf32, #tpu.memory_space<hbm>> -> memref<10000x128xf32, #tpu.memory_space<hbm>>
    tpu.wait_indirect_dma semaphore(%arg15 : memref<!tpu.dma_semaphore, #tpu.memory_space<semaphore_mem>>) src(%dma_wait3A_350 : memref<10000x128xf32, #tpu.memory_space<hbm>>) dst(%arg10 : memref<80x128xf32, #tpu.memory_space<vmem>>)
    %run_scoped3A_351 = arith.constant 4 : i32
    "tpu.region"() ({
      %run_scoped3A_375 = tpu.sem_alloc : memref<!tpu.dma_semaphore, #tpu.memory_space<semaphore_mem>>
      %dma_start3A_376 = arith.constant 0 : i32
      %dma_start3A_377 = tpu.memref_slice %arg7[%run_scoped3A_351, %dma_start3A_376] : memref<8x80xi32, #tpu.memory_space<vmem>> -> memref<1x80xi32, #tpu.memory_space<vmem>>
      %dma_start3A_378 = tpu.memref_squeeze %dma_start3A_377 : memref<1x80xi32, #tpu.memory_space<vmem>> -> memref<80xi32, #tpu.memory_space<vmem>>
      %dma_start3A_379 = arith.constant 0 : i32
      %dma_start3A_380 = arith.constant 0 : i32
      %dma_start3A_381 = tpu.memref_slice %arg12[%dma_start3A_379, %dma_start3A_380] : memref<10240x128xf32, #tpu.memory_space<vmem_shared>> -> memref<10240x128xf32, #tpu.memory_space<vmem_shared>>
      tpu.enqueue_indirect_dma source(%arg10 : memref<80x128xf32, #tpu.memory_space<vmem>>) target(%dma_start3A_381 : memref<10240x128xf32, #tpu.memory_space<vmem_shared>>) offsets(%dma_start3A_378 : memref<80xi32, #tpu.memory_space<vmem>>) semaphore(%run_scoped3A_375 : memref<!tpu.dma_semaphore, #tpu.memory_space<semaphore_mem>>) {add = true}
      %dma_wait3A_382 = arith.constant 0 : i32
      %dma_wait3A_383 = tpu.memref_slice %arg7[%run_scoped3A_351, %dma_wait3A_382] : memref<8x80xi32, #tpu.memory_space<vmem>> -> memref<1x80xi32, #tpu.memory_space<vmem>>
      %dma_wait3A_384 = tpu.memref_squeeze %dma_wait3A_383 : memref<1x80xi32, #tpu.memory_space<vmem>> -> memref<80xi32, #tpu.memory_space<vmem>>
      %dma_wait3A_385 = arith.constant 0 : i32
      %dma_wait3A_386 = arith.constant 0 : i32
      %dma_wait3A_387 = tpu.memref_slice %arg12[%dma_wait3A_385, %dma_wait3A_386] : memref<10240x128xf32, #tpu.memory_space<vmem_shared>> -> memref<10240x128xf32, #tpu.memory_space<vmem_shared>>
      tpu.wait_indirect_dma semaphore(%run_scoped3A_375 : memref<!tpu.dma_semaphore, #tpu.memory_space<semaphore_mem>>) src(%arg10 : memref<80x128xf32, #tpu.memory_space<vmem>>) dst(%dma_wait3A_387 : memref<10240x128xf32, #tpu.memory_space<vmem_shared>>)
      tpu.yield
    }) : () -> ()
    %dma_wait3A_352 = arith.constant 6 : i32
    %dma_wait3A_353 = arith.constant 0 : i32
    %dma_wait3A_354 = tpu.memref_slice %arg6[%dma_wait3A_352, %dma_wait3A_353] : memref<8x80xi32, #tpu.memory_space<vmem>> -> memref<1x80xi32, #tpu.memory_space<vmem>>
    %dma_wait3A_355 = tpu.memref_squeeze %dma_wait3A_354 : memref<1x80xi32, #tpu.memory_space<vmem>> -> memref<80xi32, #tpu.memory_space<vmem>>
    %dma_wait3A_356 = arith.constant 0 : i32
    %dma_wait3A_357 = arith.constant 0 : i32
    %dma_wait3A_358 = tpu.memref_slice %arg2[%dma_wait3A_356, %dma_wait3A_357] : memref<10000x128xf32, #tpu.memory_space<hbm>> -> memref<10000x128xf32, #tpu.memory_space<hbm>>
    tpu.wait_indirect_dma semaphore(%arg16 : memref<!tpu.dma_semaphore, #tpu.memory_space<semaphore_mem>>) src(%dma_wait3A_358 : memref<10000x128xf32, #tpu.memory_space<hbm>>) dst(%arg11 : memref<80x128xf32, #tpu.memory_space<vmem>>)
    %run_scoped3A_359 = arith.constant 6 : i32
    "tpu.region"() ({
      %run_scoped3A_375 = tpu.sem_alloc : memref<!tpu.dma_semaphore, #tpu.memory_space<semaphore_mem>>
      %dma_start3A_376 = arith.constant 0 : i32
      %dma_start3A_377 = tpu.memref_slice %arg7[%run_scoped3A_359, %dma_start3A_376] : memref<8x80xi32, #tpu.memory_space<vmem>> -> memref<1x80xi32, #tpu.memory_space<vmem>>
      %dma_start3A_378 = tpu.memref_squeeze %dma_start3A_377 : memref<1x80xi32, #tpu.memory_space<vmem>> -> memref<80xi32, #tpu.memory_space<vmem>>
      %dma_start3A_379 = arith.constant 0 : i32
      %dma_start3A_380 = arith.constant 0 : i32
      %dma_start3A_381 = tpu.memref_slice %arg12[%dma_start3A_379, %dma_start3A_380] : memref<10240x128xf32, #tpu.memory_space<vmem_shared>> -> memref<10240x128xf32, #tpu.memory_space<vmem_shared>>
      tpu.enqueue_indirect_dma source(%arg11 : memref<80x128xf32, #tpu.memory_space<vmem>>) target(%dma_start3A_381 : memref<10240x128xf32, #tpu.memory_space<vmem_shared>>) offsets(%dma_start3A_378 : memref<80xi32, #tpu.memory_space<vmem>>) semaphore(%run_scoped3A_375 : memref<!tpu.dma_semaphore, #tpu.memory_space<semaphore_mem>>) {add = true}
      %dma_wait3A_382 = arith.constant 0 : i32
      %dma_wait3A_383 = tpu.memref_slice %arg7[%run_scoped3A_359, %dma_wait3A_382] : memref<8x80xi32, #tpu.memory_space<vmem>> -> memref<1x80xi32, #tpu.memory_space<vmem>>
      %dma_wait3A_384 = tpu.memref_squeeze %dma_wait3A_383 : memref<1x80xi32, #tpu.memory_space<vmem>> -> memref<80xi32, #tpu.memory_space<vmem>>
      %dma_wait3A_385 = arith.constant 0 : i32
      %dma_wait3A_386 = arith.constant 0 : i32
      %dma_wait3A_387 = tpu.memref_slice %arg12[%dma_wait3A_385, %dma_wait3A_386] : memref<10240x128xf32, #tpu.memory_space<vmem_shared>> -> memref<10240x128xf32, #tpu.memory_space<vmem_shared>>
      tpu.wait_indirect_dma semaphore(%run_scoped3A_375 : memref<!tpu.dma_semaphore, #tpu.memory_space<semaphore_mem>>) src(%arg11 : memref<80x128xf32, #tpu.memory_space<vmem>>) dst(%dma_wait3A_387 : memref<10240x128xf32, #tpu.memory_space<vmem_shared>>)
      tpu.yield
    }) : () -> ()
    %dma_wait3A_360 = arith.constant 1 : i32
    %dma_wait3A_361 = arith.constant 0 : i32
    %dma_wait3A_362 = tpu.memref_slice %arg6[%dma_wait3A_360, %dma_wait3A_361] : memref<8x80xi32, #tpu.memory_space<vmem>> -> memref<1x80xi32, #tpu.memory_space<vmem>>
    %dma_wait3A_363 = tpu.memref_squeeze %dma_wait3A_362 : memref<1x80xi32, #tpu.memory_space<vmem>> -> memref<80xi32, #tpu.memory_space<vmem>>
    %dma_wait3A_364 = arith.constant 0 : i32
    %dma_wait3A_365 = arith.constant 0 : i32
    %dma_wait3A_366 = tpu.memref_slice %arg2[%dma_wait3A_364, %dma_wait3A_365] : memref<10000x128xf32, #tpu.memory_space<hbm>> -> memref<10000x128xf32, #tpu.memory_space<hbm>>
    tpu.wait_indirect_dma semaphore(%arg13 : memref<!tpu.dma_semaphore, #tpu.memory_space<semaphore_mem>>) src(%dma_wait3A_366 : memref<10000x128xf32, #tpu.memory_space<hbm>>) dst(%arg8 : memref<80x128xf32, #tpu.memory_space<vmem>>)
    %run_scoped3A_367 = arith.constant 1 : i32
    "tpu.region"() ({
      %run_scoped3A_375 = tpu.sem_alloc : memref<!tpu.dma_semaphore, #tpu.memory_space<semaphore_mem>>
      %dma_start3A_376 = arith.constant 0 : i32
      %dma_start3A_377 = tpu.memref_slice %arg7[%run_scoped3A_367, %dma_start3A_376] : memref<8x80xi32, #tpu.memory_space<vmem>> -> memref<1x80xi32, #tpu.memory_space<vmem>>
      %dma_start3A_378 = tpu.memref_squeeze %dma_start3A_377 : memref<1x80xi32, #tpu.memory_space<vmem>> -> memref<80xi32, #tpu.memory_space<vmem>>
      %dma_start3A_379 = arith.constant 0 : i32
      %dma_start3A_380 = arith.constant 0 : i32
      %dma_start3A_381 = tpu.memref_slice %arg12[%dma_start3A_379, %dma_start3A_380] : memref<10240x128xf32, #tpu.memory_space<vmem_shared>> -> memref<10240x128xf32, #tpu.memory_space<vmem_shared>>
      tpu.enqueue_indirect_dma source(%arg8 : memref<80x128xf32, #tpu.memory_space<vmem>>) target(%dma_start3A_381 : memref<10240x128xf32, #tpu.memory_space<vmem_shared>>) offsets(%dma_start3A_378 : memref<80xi32, #tpu.memory_space<vmem>>) semaphore(%run_scoped3A_375 : memref<!tpu.dma_semaphore, #tpu.memory_space<semaphore_mem>>) {add = true}
      %dma_wait3A_382 = arith.constant 0 : i32
      %dma_wait3A_383 = tpu.memref_slice %arg7[%run_scoped3A_367, %dma_wait3A_382] : memref<8x80xi32, #tpu.memory_space<vmem>> -> memref<1x80xi32, #tpu.memory_space<vmem>>
      %dma_wait3A_384 = tpu.memref_squeeze %dma_wait3A_383 : memref<1x80xi32, #tpu.memory_space<vmem>> -> memref<80xi32, #tpu.memory_space<vmem>>
      %dma_wait3A_385 = arith.constant 0 : i32
      %dma_wait3A_386 = arith.constant 0 : i32
      %dma_wait3A_387 = tpu.memref_slice %arg12[%dma_wait3A_385, %dma_wait3A_386] : memref<10240x128xf32, #tpu.memory_space<vmem_shared>> -> memref<10240x128xf32, #tpu.memory_space<vmem_shared>>
      tpu.wait_indirect_dma semaphore(%run_scoped3A_375 : memref<!tpu.dma_semaphore, #tpu.memory_space<semaphore_mem>>) src(%arg8 : memref<80x128xf32, #tpu.memory_space<vmem>>) dst(%dma_wait3A_387 : memref<10240x128xf32, #tpu.memory_space<vmem_shared>>)
      tpu.yield
    }) : () -> ()
    %barrier3A_368 = arith.constant 0 : index
    tpu.barrier barrier_id(%barrier3A_368)
    %lt3A = arith.constant 15 : i32
    %lt3A_369 = arith.cmpi slt, %arg1, %lt3A : i32
    %convert_element_type3A = arith.extui %lt3A_369 : i1 to i32
    %cond3A = arith.constant 0 : i32
    %cond3A_370 = arith.cmpi ne, %convert_element_type3A, %cond3A : i32
    scf.if %cond3A_370 {
      %mul3A_375 = arith.constant 10000 : i32
      %mul3A_376 = arith.muli %arg0, %mul3A_375 : i32
      %add3A_377 = arith.addi %mul3A_376, %mul3A_0 : i32
      "tpu.region"() ({
        %run_scoped3A_378 = tpu.sem_alloc : memref<!tpu.dma_semaphore, #tpu.memory_space<semaphore_mem>>
        %dma_start3A_379 = arith.constant 0 : i32
        %dma_start3A_380 = tpu.memref_slice %arg5[%add3A_377, %dma_start3A_379] : memref<20000x128xf32, #tpu.memory_space<hbm>> -> memref<640x128xf32, #tpu.memory_space<hbm>>
        %dma_start3A_381 = arith.constant 0 : i32
        %dma_start3A_382 = tpu.memref_slice %arg12[%mul3A_0, %dma_start3A_381] : memref<10240x128xf32, #tpu.memory_space<vmem_shared>> -> memref<640x128xf32, #tpu.memory_space<vmem_shared>>
        tpu.enqueue_dma source(%dma_start3A_382 : memref<640x128xf32, #tpu.memory_space<vmem_shared>>) target(%dma_start3A_380 : memref<640x128xf32, #tpu.memory_space<hbm>>) target_semaphore(%run_scoped3A_378 : memref<!tpu.dma_semaphore, #tpu.memory_space<semaphore_mem>>)
        %dma_wait3A_383 = arith.constant 0 : i32
        %dma_wait3A_384 = tpu.memref_slice %arg5[%add3A_377, %dma_wait3A_383] : memref<20000x128xf32, #tpu.memory_space<hbm>> -> memref<640x128xf32, #tpu.memory_space<hbm>>
        %dma_wait3A_385 = arith.constant 0 : i32
        %dma_wait3A_386 = tpu.memref_slice %arg12[%mul3A_0, %dma_wait3A_385] : memref<10240x128xf32, #tpu.memory_space<vmem_shared>> -> memref<640x128xf32, #tpu.memory_space<vmem_shared>>
        tpu.wait_dma2 semaphore(%run_scoped3A_378 : memref<!tpu.dma_semaphore, #tpu.memory_space<semaphore_mem>>) src(%dma_wait3A_386 : memref<640x128xf32, #tpu.memory_space<vmem_shared>>) dst(%dma_wait3A_384 : memref<640x128xf32, #tpu.memory_space<hbm>>)
        tpu.yield
      }) : () -> ()
    } else {
    }
    %eq3A = arith.constant 15 : i32
    %eq3A_371 = arith.cmpi eq, %arg1, %eq3A : i32
    %convert_element_type3A_372 = arith.extui %eq3A_371 : i1 to i32
    %cond3A_373 = arith.constant 0 : i32
    %cond3A_374 = arith.cmpi ne, %convert_element_type3A_372, %cond3A_373 : i32
    scf.if %cond3A_374 {
      %mul3A_375 = arith.constant 10000 : i32
      %mul3A_376 = arith.muli %arg0, %mul3A_375 : i32
      %add3A_377 = arith.addi %mul3A_376, %mul3A_0 : i32
      "tpu.region"() ({
        %run_scoped3A_378 = tpu.sem_alloc : memref<!tpu.dma_semaphore, #tpu.memory_space<semaphore_mem>>
        %dma_start3A_379 = arith.constant 0 : i32
        %dma_start3A_380 = tpu.memref_slice %arg5[%add3A_377, %dma_start3A_379] : memref<20000x128xf32, #tpu.memory_space<hbm>> -> memref<400x128xf32, #tpu.memory_space<hbm>>
        %dma_start3A_381 = arith.constant 0 : i32
        %dma_start3A_382 = tpu.memref_slice %arg12[%mul3A_0, %dma_start3A_381] : memref<10240x128xf32, #tpu.memory_space<vmem_shared>> -> memref<400x128xf32, #tpu.memory_space<vmem_shared>>
        tpu.enqueue_dma source(%dma_start3A_382 : memref<400x128xf32, #tpu.memory_space<vmem_shared>>) target(%dma_start3A_380 : memref<400x128xf32, #tpu.memory_space<hbm>>) target_semaphore(%run_scoped3A_378 : memref<!tpu.dma_semaphore, #tpu.memory_space<semaphore_mem>>)
        %dma_wait3A_383 = arith.constant 0 : i32
        %dma_wait3A_384 = tpu.memref_slice %arg5[%add3A_377, %dma_wait3A_383] : memref<20000x128xf32, #tpu.memory_space<hbm>> -> memref<400x128xf32, #tpu.memory_space<hbm>>
        %dma_wait3A_385 = arith.constant 0 : i32
        %dma_wait3A_386 = tpu.memref_slice %arg12[%mul3A_0, %dma_wait3A_385] : memref<10240x128xf32, #tpu.memory_space<vmem_shared>> -> memref<400x128xf32, #tpu.memory_space<vmem_shared>>
        tpu.wait_dma2 semaphore(%run_scoped3A_378 : memref<!tpu.dma_semaphore, #tpu.memory_space<semaphore_mem>>) src(%dma_wait3A_386 : memref<400x128xf32, #tpu.memory_space<vmem_shared>>) dst(%dma_wait3A_384 : memref<400x128xf32, #tpu.memory_space<hbm>>)
        tpu.yield
      }) : () -> ()
    } else {
    }
    return
  }
}

module attributes {stable_mosaic.version = 14 : i64} {
  func.func @_tc_matmul_body(%arg0: i32, %arg1: memref<2000x128xf32, #tpu.memory_space<vmem>>, %arg2: memref<2000x128xf32, #tpu.memory_space<vmem>>, %arg3: memref<128x128xf32, #tpu.memory_space<vmem>>, %arg4: memref<1x128xf32, #tpu.memory_space<vmem>>, %arg5: memref<2000x128xf32, #tpu.memory_space<vmem>>) attributes {dimension_semantics = [#tpu.dimension_semantics<arbitrary>], iteration_bounds = array<i64: 5>, scalar_prefetch = 0 : i64, scratch_operands = 0 : i64, tpu.core_type = #tpu.core_type<tc>, window_params = [{transform_indices = @transform_0, window_bounds = array<i64: 2000, 128>}, {transform_indices = @transform_1, window_bounds = array<i64: 2000, 128>}, {pipeline_mode = #tpu.pipeline_mode<synchronous>, transform_indices = @transform_2, window_bounds = array<i64: 128, 128>}, {pipeline_mode = #tpu.pipeline_mode<synchronous>, transform_indices = @transform_3, window_bounds = array<i64: 1, 128>}, {transform_indices = @transform_4, window_bounds = array<i64: 2000, 128>}]} {
    %get3A = arith.constant 0 : index
    %get3A_0 = arith.constant 0 : index
    %get3A_1 = vector.load %arg1[%get3A, %get3A_0] : memref<2000x128xf32, #tpu.memory_space<vmem>>, vector<2000x128xf32>
    %get3A_2 = arith.constant 0 : index
    %get3A_3 = arith.constant 0 : index
    %get3A_4 = vector.load %arg2[%get3A_2, %get3A_3] : memref<2000x128xf32, #tpu.memory_space<vmem>>, vector<2000x128xf32>
    %add3A = arith.addf %get3A_1, %get3A_4 : vector<2000x128xf32>
    %get3A_5 = arith.constant 0 : index
    %get3A_6 = arith.constant 0 : index
    %get3A_7 = vector.load %arg3[%get3A_5, %get3A_6] : memref<128x128xf32, #tpu.memory_space<vmem>>, vector<128x128xf32>
    %dot_general3A = arith.constant dense<0.000000e+00> : vector<2000x128xf32>
    %dot_general3A_8 = tpu.matmul %add3A, %get3A_7, %dot_general3A {dimension_numbers = #tpu.dot_dimension_numbers<[1], [0], [0], [1], [0, 0, 1, 1], [], []>, transpose_lhs_hint = false} : vector<2000x128xf32>, vector<128x128xf32>, vector<2000x128xf32> -> vector<2000x128xf32>
    %get3A_9 = arith.constant 0 : index
    %get3A_10 = arith.constant 0 : index
    %get3A_11 = vector.load %arg4[%get3A_9, %get3A_10] : memref<1x128xf32, #tpu.memory_space<vmem>>, vector<1x128xf32>
    %add3A_12 = vector.broadcast %get3A_11 : vector<1x128xf32> to vector<2000x128xf32>
    %add3A_13 = arith.addf %dot_general3A_8, %add3A_12 : vector<2000x128xf32>
    %swap3A = arith.constant 0 : index
    %swap3A_14 = arith.constant 0 : index
    %swap3A_15 = vector.load %arg5[%swap3A, %swap3A_14] : memref<2000x128xf32, #tpu.memory_space<vmem>>, vector<2000x128xf32>
    tpu.vector_store %arg5[%swap3A, %swap3A_14], %add3A_13 {strides = array<i32>} : memref<2000x128xf32, #tpu.memory_space<vmem>>, vector<2000x128xf32>,
    return
  }
  func.func @transform_0(%arg0: i32) -> (i32, i32) {
    %c0_i32 = arith.constant 0 : i32
    %c0_i32_0 = arith.constant 0 : i32
    return %arg0, %c0_i32 : i32, i32
  }
  func.func @transform_1(%arg0: i32) -> (i32, i32) {
    %add3A = arith.constant 5 : i32
    %add3A_0 = arith.addi %arg0, %add3A : i32
    %c0_i32 = arith.constant 0 : i32
    %c0_i32_1 = arith.constant 0 : i32
    return %add3A_0, %c0_i32 : i32, i32
  }
  func.func @transform_2(%arg0: i32) -> (i32, i32) {
    %c0_i32 = arith.constant 0 : i32
    %c0_i32_0 = arith.constant 0 : i32
    %c0_i32_1 = arith.constant 0 : i32
    return %c0_i32, %c0_i32_0 : i32, i32
  }
  func.func @transform_3(%arg0: i32) -> (i32, i32) {
    %c0_i32 = arith.constant 0 : i32
    %c0_i32_0 = arith.constant 0 : i32
    %c0_i32_1 = arith.constant 0 : i32
    return %c0_i32, %c0_i32_0 : i32, i32
  }
  func.func @transform_4(%arg0: i32) -> (i32, i32) {
    %c0_i32 = arith.constant 0 : i32
    %c0_i32_0 = arith.constant 0 : i32
    return %arg0, %c0_i32 : i32, i32
  }
}

</mosaic_0001>

<sc_bundles>
// kernel: kernel.4.cloned.1.call-start
scs
__scs_entry_jumppad:
0x0: {  	(pc) =	sbr.rel $0x88, $3  }
0x1: {  	(tag) =	ssettag $0x0;
	lr =	simm.s32 $0x1  }
0x2: {  	[smem:$0x3F9D] =	sst lr;
	_ =	strace $0xD0000000  }
0x3: {  	_ = 	snop  }
0x4: {  	_ = 	snop  }
0x5: {  	_ = 	snop  }
0x6: {  	_ = 	snop  }
0x7: {  	_ = 	snop  }
__scs_overlays_trampoline_lowered:
0x8: {  	[smem:$0x3FAC] =	sst s0  }
0x9: {  	[smem:$0x3FAD] =	sst s1  }
0xa: {  	[smem:$0x3FAE] =	sst s2  }
0xb: {  	[smem:$0x3FAF] =	sst s3  }
0xc: {  	[smem:$0x3FB0] =	sst s4  }
0xd: {  	[smem:$0x3FB1] =	sst s5  }
0xe: {  	[smem:$0x3FB2] =	sst s6  }
0xf: {  	[smem:$0x3FB3] =	sst s7  }
0x10: {  	[smem:$0x3FB4] =	sst s8  }
0x11: {  	[smem:$0x3FB5] =	sst s9;
	s0 =	simm.s32 @!p0 $0x0  }
0x12: {  	s1 =	sld [smem:$0x3F9B];
	s0 =	simm.s32 @p0 $0x1  }
0x13: {  	[smem:$0x3FB6] =	sst s0;
	s0 =	simm.s32 @!p1 $0x0  }
0x14: {  	s2 =	sld [smem:$0x3F9A];
	s0 =	simm.s32 @p1 $0x1  }
0x15: {  	[smem:$0x3FB7] =	sst s0;
	s0 =	simm.s32 @!p2 $0x0  }
0x16: {  	s3 =	sld [smem:$0x3FDB];
	s0 =	simm.s32 @p2 $0x1  }
0x17: {  	s4 =	simm.s32 $0x1BF5;
	[smem:$0x3FB9] =	sst s0  }
0x18: {  	s0 =	sld [smem:$0x3F9C];
	_ =	swait.ge [sflag:s4], $0x0  }
0x19: {  	s7 =	sld [smem:$0x3F9D]  }
0x1a: {  	s8 =	sadd.s32 $0xFFFFE003, lr  }
0x1b: {  	s9 =	sadd.s32 $0xFFFFFEF7, lr;
	s5 =	simm.s32 $0xFFFFFFFF;
	p2 =	slt.u32 s8, $0xFFFFF086  }
0x1c: {  	p1 =	slt.u32 s9, $0xF7A;
	s5 =	simm.s32 @!p2 $0x0  }
0x1d: {  	s5 =	simm.s32 @p1 $0x1;
	p0 =	seq.s32 s7, s2  }
0x1e: {  	s7 =	smul.u32 @!p0 $0xF7A, s2;
	p2 =	seq.s32 @!p0 s5, $0x0  }
0x1f: {  	s9 =	smul.u32 $0xF7A, s1;
	s8 =	simm.s32 @!p0 $0x1BF5;
	p2 =	por !p2, p0  }
0x20: {  	[sflag:s8] =	ssyncset.s32 @!p0 $0xFFFFF086;
	s6 =	sadd.s32 @!p0 s3, s7;
	s7 =	simm.s32 @!p0 $0x108  }
0x21: {  	s3 =	sadd.s32 s3, s9;
	s6 =	sadd.s32 @!p0 $0x88, s6;
	s7 =	simm.s32 @p2 $0x1082  }
0x22: {  	[simem:s7], [sflag:s8] =	dma.local @!p0 [hbm:s6], $0xF7A  }
0x23: {  	s9 =	sor.u32 $0xD0000000, s2;
	s6 =	simm.s32 $0x108;
	_ =	swait.ge @!p0 [sflag:s8], $0x0  }
0x24: {  	s3 =	sadd.s32 $0x88, s3;
	s6 =	simm.s32 @!p1 $0x1082;
	[sflag:s4] =	ssyncset.s32 $0xFFFFF086  }
0x25: {  	[simem:s6], [sflag:s4] =	dma.local [hbm:s3], $0xF7A  }
0x26: {  	[smem:$0x3F9D] =	sst s1;
	(tag) =	ssettag s2;
	_ =	strace s9  }
0x27: {  	s1 =	sld [smem:$0x3FAD]  }
0x28: {  	s2 =	sld [smem:$0x3FAE]  }
0x29: {  	s4 =	sld [smem:$0x3FB0]  }
0x2a: {  	p0 =	seq.s32 s5, $0x0;
	s5 =	sld [smem:$0x3FB1]  }
0x2b: {  	s6 =	sld [smem:$0x3FB2]  }
0x2c: {  	s7 =	sld [smem:$0x3FB3]  }
0x2d: {  	s3 =	simm.s32 $0x108;
	s8 =	sld [smem:$0x3FB4]  }
0x2e: {  	s3 =	simm.s32 @!p0 $0x1082;
	s9 =	sld [smem:$0x3FB5]  }
0x2f: {  	lr =	sadd.s32 s0, s3;
	s0 =	sld [smem:$0x3FAC]  }
0x30: {  	s3 =	sld [smem:$0x3FAF]  }
0x31: {  	[smem:$0x3FB8] =	sst s10  }
0x32: {  	s10 =	sld [smem:$0x3FB6];
	_ =	sdelay $0x3  }
0x33: {  	p0 =	seq.s32 s10, $0x1;
	s10 =	sld [smem:$0x3FB8];
	_ =	sdelay $0x3  }
0x34: {  	[smem:$0x3FB8] =	sst s10  }
0x35: {  	s10 =	sld [smem:$0x3FB7];
	_ =	sdelay $0x3  }
0x36: {  	p1 =	seq.s32 s10, $0x1;
	s10 =	sld [smem:$0x3FB8];
	_ =	sdelay $0x3  }
0x37: {  	[smem:$0x3FB8] =	sst s10  }
0x38: {  	s10 =	sld [smem:$0x3FB9]  }
0x39: {  	_ = 	snop;
	(pc) =	sbr.ind lr, $3  }
0x3a: {  	_ = 	snop  }
0x3b: {  	_ = 	snop  }
0x3c: {  	p2 =	seq.s32 s10, $0x1;
	s10 =	sld [smem:$0x3FB8]  }
0x3d: {  	_ =	shalt  }
0x3e: {  	_ =	shalt  }
0x3f: {  	_ =	shalt  }
0x40: {  	_ =	shalt  }
0x41: {  	_ =	shalt  }
0x42: {  	_ =	shalt  }
0x43: {  	_ =	shalt  }
0x44: {  	_ =	shalt  }
0x45: {  	_ =	shalt  }
0x46: {  	_ =	shalt  }
0x47: {  	_ =	shalt  }
0x48: {  	_ =	shalt  }
0x49: {  	_ =	shalt  }
0x4a: {  	_ =	shalt  }
0x4b: {  	_ =	shalt  }
0x4c: {  	_ =	shalt  }
0x4d: {  	_ =	shalt  }
0x4e: {  	_ =	shalt  }
0x4f: {  	_ =	shalt  }
0x50: {  	_ =	shalt  }
0x51: {  	_ =	shalt  }
0x52: {  	_ =	shalt  }
0x53: {  	_ =	shalt  }
0x54: {  	_ =	shalt  }
0x55: {  	_ =	shalt  }
0x56: {  	_ =	shalt  }
0x57: {  	_ =	shalt  }
0x58: {  	_ =	shalt  }
0x59: {  	_ =	shalt  }
0x5a: {  	_ =	shalt  }
0x5b: {  	_ =	shalt  }
0x5c: {  	_ =	shalt  }
0x5d: {  	_ =	shalt  }
0x5e: {  	_ =	shalt  }
0x5f: {  	_ =	shalt  }
0x60: {  	_ =	shalt  }
0x61: {  	_ =	shalt  }
0x62: {  	_ =	shalt  }
0x63: {  	_ =	shalt  }
0x64: {  	_ =	shalt  }
0x65: {  	_ =	shalt  }
0x66: {  	_ =	shalt  }
0x67: {  	_ =	shalt  }
0x68: {  	_ =	shalt  }
0x69: {  	_ =	shalt  }
0x6a: {  	_ =	shalt  }
0x6b: {  	_ =	shalt  }
0x6c: {  	_ =	shalt  }
0x6d: {  	_ =	shalt  }
0x6e: {  	_ =	shalt  }
0x6f: {  	_ =	shalt  }
0x70: {  	_ =	shalt  }
0x71: {  	_ =	shalt  }
0x72: {  	_ =	shalt  }
0x73: {  	_ =	shalt  }
0x74: {  	_ =	shalt  }
0x75: {  	_ =	shalt  }
0x76: {  	_ =	shalt  }
0x77: {  	_ =	shalt  }
0x78: {  	_ =	shalt  }
0x79: {  	_ =	shalt  }
0x7a: {  	_ =	shalt  }
0x7b: {  	_ =	shalt  }
0x7c: {  	_ =	shalt  }
0x7d: {  	_ =	shalt  }
0x7e: {  	_ =	shalt  }
0x7f: {  	_ =	shalt  }
0x80: {  	_ =	shalt  }
0x81: {  	_ =	shalt  }
0x82: {  	_ =	shalt  }
0x83: {  	_ =	shalt  }
0x84: {  	_ =	shalt  }
0x85: {  	_ =	shalt  }
0x86: {  	_ =	shalt  }
0x87: {  	_ =	shalt  }
.Lfunc_end0:
.L_simem_size_0:
called_computation_lowered:
.L_overlay_start_0:
0x88: {  	s2 =	sld [smem:$0x3FD9]  }
0x89: {  	s3 =	sld [smem:$0x3FFE];
	_ =	sdelay $0x1  }
0x8a: {  	s1 =	srdreg.scid  }
0x8b: {  	s0 =	sand.u32 $0x1, s1  }
0x8c: {  	s17 =	sshll.u32 s0, $0xA;
	s2 =	sadd.s32 s3, s2  }
0x8d: {  	s2 =	sadd.s32 s2, s17  }
0x8e: {  	[smem:$0x3FC4] =	sst s2  }
0x8f: {  	_ = 	snop  }
0x90: {  	s2 =	sld [smem:$0x3FC9]  }
0x91: {  	s18 =	sld [smem:$0x3FD0];
	(tm) =	ssettm $0x1  }
0x92: {  	s4 =	sld [smem:$0x3FFB];
	_ =	sdelay $0x3  }
0x93: {  	_ =	strace s4  }
0x94: {  	s4 =	sld [smem:$0x3FFC];
	_ =	sdelay $0x3  }
0x95: {  	_ =	strace s4  }
0x96: {  	s4 =	sld [smem:$0x3FFD];
	_ =	sdelay $0x3  }
0x97: {  	_ =	strace s4  }
0x98: {  	_ =	strace $0x8FFFFFFF  }
0x99: {  	s19 =	sld [smem:$0x3FDB];
	_ =	sdelay $0x1  }
0x9a: {  	s5 =	simm.s32 $_scs_section_size  }
0x9b: {  	s6 =	simm.s32 $_size__tile_overlayer_lowered;
	s7 =	simm.s32 $_tile_overlayer_lowered  }
0x9c: {  	s22 =	simm.s32 $0x1BFF;
	s21 =	sshll.u32 s7, $0x1;
	s4 =	sadd.s32 s5, s19  }
0x9d: {  	s8 =	simm.s32 $0x0;
	s20 =	sshll.u32 s6, $0x1;
	s6 =	sadd.s32 s21, s4  }
0x9e: {  	[timem:s8], [sflag:s22] =	dma.local [hbm:s6], s20  }
0x9f: {  	_ =	swait.ge [sflag:s22], s20  }
0xa0: {  	s5 =	ssub.s32 $0x0, s20;
	[sflag:s22] =	ssyncset.done $0x0  }
0xa1: {  	[sflag:s22] =	ssyncadd.s32 s5;
	_ =	sdelay $0x1  }
0xa2: {  	s23 =	simm.s32 $0x1B8B  }
0xa3: {  	_ =	swait.ge [sflag:s23], $0x1  }
0xa4: {  	[sflag:s23] =	ssyncset.done $0x0  }
0xa5: {  	s25 =	simm.s32 $0x1B8E;
	s24 =	sld [smem:$0x3FFE];
	[sflag:s23] =	ssyncadd.s32 $0xFFFFFFFF  }
0xa6: {  	s26 =	simm.s32 $execute0_lowered;
	[smem:$0x3FD2] =	sst s25  }
0xa7: {  	s6 =	sshll.u32 s26, $0x1;
	_ =	strace $0x80000046;
	[dreg:$0x1] =	wrdreg $0xFFFFFFFF  }
0xa8: {  	s28 =	simm.s32 $_size_execute0_lowered;
	s4 =	sadd.s32 s4, s6;
	[dreg:$0x0] =	wrdreg $0x0  }
0xa9: {  	s6 =	sshll.u32 s28, $0x1;
	[dreg:$0x2] =	wrdreg s4  }
0xaa: {  	[dreg:$0x3] =	wrdreg s6  }
0xab: {  	[dreg:$0x4] =	wrdreg $0xC0  }
0xac: {  	_ =	task [dreg:s8], $0x5FFFF  }
0xad: {  	[dreg:$0x1] =	wrdreg $0xFFFFFFFF  }
0xae: {  	[dreg:$0x0] =	wrdreg $0x60  }
0xaf: {  	[dreg:$0x2] =	wrdreg s2  }
0xb0: {  	[dreg:$0x3] =	wrdreg s18  }
0xb1: {  	[dreg:$0x4] =	wrdreg s24  }
0xb2: {  	[dreg:$0x5] =	wrdreg $0xA8000  }
0xb3: {  	[dreg:$0x6] =	wrdreg $0x9  }
0xb4: {  	_ =	task.clear_ibuf [dreg:s8], $0x7FFFF;
	_ =	strace $0x90000046  }
0xb5: {  	s29 =	simm.s32 $0x9;
	_ =	strace $0x80000048  }
0xb6: {  	_ =	swait.ge [sflag:s29], $0x1  }
0xb7: {  	[sflag:s29] =	ssyncadd.s32 $0xFFFFFFFF  }
0xb8: {  	_ =	strace $0x90000048  }
0xb9: {  	_ =	sfence  }
0xba: {  	s30 =	sld [smem:$0x0];
	_ =	sdelay $0x2  }
0xbb: {  	s31 =	sshll.u32 s1, $0xD;
	s1 =	sshrl.u32 s1, $0x2  }
0xbc: {  	s3 =	sand.u32 $0x4000, s31;
	s1 =	sadd.s32 s1, s30  }
0xbd: {  	s0 =	sor.u32 s3, s0;
	s1 =	sshll.u32 s1, $0x11  }
0xbe: {  	s0 =	sor.u32 s1, s0  }
0xbf: {  	s0 =	sadd.s32 $0x8F2B, s0  }
0xc0: {  	[sflag:s0] =	ssyncadd.remote.s32 $0x1  }
0xc1: {  	_ =	sfence.sel $0xFFFF  }
0xc2: {  	[dreg:$0x0] =	wrdreg $0xFFFFFFFF;
	(pc) =	sbr.abs _section_cstart, $3  }
0xc3: {  	[dreg:$0x1] =	wrdreg $0xFFFFFFFF  }
0xc4: {  	_ =	task.clear_ibuf [dreg:s8], $0x2FFFF;
	_ =	strace $0x9FFFFFFF  }
0xc5: {  	(tm) =	ssettm $0x7FFFFFFF  }
tec
execute0_lowered:
.L_overlay_start_1:
0x0: {  	(tag) =	ssettag $0x1  }
0x1: {  	s1 =	rddreg [dreg:$0x0]  }
0x2: {  	s11 =	rddreg [dreg:$0x1]  }
0x3: {  	s0 =	rddreg [dreg:$0x2]  }
0x4: {  	s3 =	rddreg [dreg:$0x3];
	s2 =	srdreg.scid  }
0x5: {  	s5 =	simm.s32 $0x0;
	s12 =	stileid.u32;
	s31 =	simm.s32 $0x400  }
0x6: {  	s29 =	simm.s32 $0x4;
	s2 =	sand.u32 $0x1, s2;
	s6 =	smul.u32 $0x2800, s12  }
0x7: {  	[smem:$0x7FF] =	sst s5;
	s7 =	sadd.s32 $0x800, s0;
	s8 =	smul.u32 $0x50000, s12  }
0x8: {  	s0 =	sadd.s32 $0x3000, s0;
	s16 =	sshll.u32 s12, $0x6;
	s17 =	smul.u32 $0x2710, s12  }
0x9: {  	p0 =	seq.s32 s12, $0xF;
	s4 =	sshll.u32 s2, $0x4;
	_ =	strace $0x80000047  }
0xa: {  	[dreg:$0x5] =	wrdreg s7;
	s14 =	ssub.s32 $0x2, s2;
	s10 =	smul.u32 $0x27100, s2  }
0xb: {  	s2 =	smul.u32 $0x138800, s2;
	s30 =	sor.u32 $0x1C0D, s16;
	s4 =	sor.u32 s12, s4  }
0xc: {  	s9 =	sshrl.u32 s14, $0x1;
	s15 =	sshrl.u32 s8, $0x2;
	[dreg:$0x8] =	wrdreg s30  }
0xd: {  	s4 =	smul.u32 $0x2710, s4;
	s7 =	ssub.s32 s14, s9;
	s28 =	sadd.s32 s15, s3  }
0xe: {  	s2 =	sshrl.u32 s2, $0x3;
	s18 =	sadd.s32 s6, s10;
	s6 =	sadd.s32 s17, s10  }
0xf: {  	s2 =	sadd.s32 s0, s2;
	s0 =	sadd.s32 s0, s18;
	s20 =	sadd.s32 $0x4B0, s6  }
0x10: {  	s21 =	smax.u32 s7, $0x1;
	s22 =	sadd.s32 $0x4E6B0, s6;
	s24 =	sadd.s32 $0x460, s6  }
0x11: {  	s26 =	sadd.s32 $0x4E660, s6;
	s7 =	sadd.s32 $0x410, s6;
	s9 =	sadd.s32 $0x4E610, s6  }
0x12: {  	s14 =	sadd.s32 $0x3C0, s6;
	s16 =	sadd.s32 $0x4E5C0, s6;
	[dreg:$0x7] =	wrdreg s28  }
0x13: {  	s18 =	sadd.s32 $0x370, s6;
	s4 =	sshrl.u32 s4, $0x3;
	[dreg:$0x9] =	wrdreg s0  }
0x14: {  	s19 =	sadd.s32 $0x25800, s2;
	[dreg:$0xb] =	wrdreg s21;
	s0 =	sshrl.u32 s20, $0x3  }
0x15: {  	s23 =	sshrl.u32 s22, $0x3;
	s25 =	sshrl.u32 s24, $0x3;
	s8 =	sshrl.u32 s7, $0x3  }
0x16: {  	s10 =	sshrl.u32 s9, $0x3;
	s15 =	sshrl.u32 s14, $0x3;
	s17 =	sshrl.u32 s16, $0x3  }
0x17: {  	s20 =	sadd.s32 $0x4E570, s6;
	s9 =	sadd.s32 $0x280, s6;
	[dreg:$0xa] =	wrdreg s19  }
0x18: {  	s22 =	sadd.s32 $0x320, s6;
	s0 =	sadd.s32 s0, s11;
	[dreg:$0x1a] =	wrdreg s9  }
0x19: {  	s24 =	sadd.s32 $0x4E520, s6;
	s13 =	sadd.s32 s11, s4;
	[dreg:$0xc] =	wrdreg s0  }
0x1a: {  	s4 =	sshrl.u32 s26, $0x3;
	s0 =	sadd.s32 s23, s11;
	[dreg:$0x6] =	wrdreg s13  }
0x1b: {  	s19 =	sshrl.u32 s18, $0x3;
	s12 =	sadd.s32 $0x28, s13;
	[dreg:$0xd] =	wrdreg s0  }
0x1c: {  	s21 =	sshrl.u32 s20, $0x3;
	s14 =	sadd.s32 $0x9C68, s13;
	[dreg:$0x1d] =	wrdreg s12  }
0x1d: {  	s26 =	sadd.s32 $0x2D0, s6;
	s16 =	sadd.s32 $0x9C4A, s13;
	[dreg:$0x1e] =	wrdreg s14  }
0x1e: {  	s9 =	simm.s32 $0x0;
	s18 =	sadd.s32 $0x9C72, s13;
	[smem:$0x7F3] =	sst s16  }
0x1f: {  	s23 =	sshrl.u32 s22, $0x3;
	s20 =	sadd.s32 $0x9C54, s13;
	[smem:$0x7F5] =	sst s18  }
0x20: {  	s2 =	sshrl.u32 s26, $0x3;
	s22 =	sadd.s32 $0x9C7C, s13;
	[smem:$0x7F7] =	sst s20  }
0x21: {  	s26 =	sadd.s32 $0x9C86, s13;
	s0 =	sadd.s32 s25, s11;
	[smem:$0x7F9] =	sst s22  }
0x22: {  	s25 =	sshrl.u32 s24, $0x3;
	s24 =	sadd.s32 $0x9C5E, s13;
	[smem:$0x7FD] =	sst s26  }
0x23: {  	s12 =	simm.s32 $0x480;
	s14 =	simm.s32 $0x800;
	s16 =	simm.s32 $0x3000  }
0x24: {  	s18 =	simm.s32 $0x5800;
	s20 =	simm.s32 $0x8000;
	[dreg:$0xe] =	wrdreg s0  }
0x25: {  	s22 =	simm.s32 $0x6;
	s0 =	sadd.s32 s4, s11;
	[smem:$0x7FB] =	sst s24  }
0x26: {  	s26 =	simm.s32 $0xA;
	[dreg:$0xf] =	wrdreg s0;
	s0 =	sadd.s32 s8, s11  }
0x27: {  	s4 =	sadd.s32 $0x4E4D0, s6;
	[dreg:$0x10] =	wrdreg s0;
	s0 =	sadd.s32 s10, s11  }
0x28: {  	s24 =	simm.s32 $0x8;
	[dreg:$0x11] =	wrdreg s0;
	s0 =	sadd.s32 s15, s11  }
0x29: {  	s7 =	sshrl.u32 s4, $0x3;
	s15 =	sadd.s32 $0xA, s13;
	[dreg:$0x12] =	wrdreg s0  }
0x2a: {  	s8 =	sadd.s32 $0x4E480, s6;
	s0 =	sadd.s32 s17, s11;
	[dreg:$0x1f] =	wrdreg s15  }
0x2b: {  	s4 =	simm.s32 $0x80;
	s17 =	sadd.s32 $0x32, s13;
	[dreg:$0x13] =	wrdreg s0  }
0x2c: {  	s6 =	simm.s32 $0x500;
	s0 =	sadd.s32 s19, s11;
	[smem:$0x7F4] =	sst s17  }
0x2d: {  	s10 =	sshrl.u32 s8, $0x3;
	s19 =	sadd.s32 $0x14, s13;
	[dreg:$0x14] =	wrdreg s0  }
0x2e: {  	s8 =	simm.s32 $0x5;
	s0 =	sadd.s32 s21, s11;
	[smem:$0x7F6] =	sst s19  }
0x2f: {  	s15 =	simm.s32 $0x7;
	s21 =	sadd.s32 $0x3C, s13;
	[dreg:$0x15] =	wrdreg s0  }
0x30: {  	s17 =	simm.s32 $0x9;
	s0 =	sadd.s32 s23, s11;
	[smem:$0x7F8] =	sst s21  }
0x31: {  	s19 =	simm.s32 $0xB;
	s23 =	sadd.s32 $0x1E, s13;
	[dreg:$0x16] =	wrdreg s0  }
0x32: {  	s21 =	simm.s32 $0x1;
	s0 =	sadd.s32 s25, s11;
	[smem:$0x7FA] =	sst s23  }
0x33: {  	s25 =	sadd.s32 $0x46, s13;
	s23 =	simm.s32 $0x2;
	[dreg:$0x17] =	wrdreg s0  }
.Ltmp0:
0x34: {  	s0 =	sadd.s32 s2, s11;
	[smem:$0x7FC] =	sst s25;
	(pc) =	sbr.rel .LBB2_1-.Ltmp0, $4  }
0x35: {  	s2 =	simm.s32 $0x700;
	[dreg:$0x18] =	wrdreg s0;
	s0 =	sadd.s32 s7, s11  }
0x36: {  	s25 =	simm.s32 $0x3;
	[dreg:$0x19] =	wrdreg s0;
	s0 =	sadd.s32 s10, s11  }
0x37: {  	s7 =	simm.s32 $0xD;
	s11 =	sadd.s32 $0x9C40, s13;
	[dreg:$0x1b] =	wrdreg s0  }
0x38: {  	s13 =	simm.s32 $0x50;
	[dreg:$0x1c] =	wrdreg s11;
	s11 =	simm.s32 $0xC  }
.LBB2_4:
0x39: {  	_ =	swait.ge [sflag:s21], $0x2800  }
0x3a: {  	[sflag:s21] =	ssyncset.done $0x0  }
0x3b: {  	s31 =	simm.s32 $0x400;
	[sflag:s21] =	ssyncadd.s32 $0xFFFFD800  }
0x3c: {  	[spmem:s3] =	stream.indirect.scatter.add.f32 [tilespmem:s14], [sflag:$0xD], $0x80, s31, s13, $0xb8;
	[tilespmem:$0x1E800] =	vst v63  }
0x3d: {  	_ =	swait.ge [sflag:s7], $0x2800  }
0x3e: {  	[sflag:s7] =	ssyncset.done $0x0  }
0x3f: {  	[sflag:s7] =	ssyncadd.s32 $0xFFFFD800  }
0x40: {  	_ =	swait.ge [sflag:s22], $0x50  }
0x41: {  	[sflag:s22] =	ssyncset.done $0x0  }
0x42: {  	[sflag:s22] =	ssyncadd.s32 $0xFFFFFFB0  }
0x43: {  	_ =	swait.ge [sflag:s22], $0x50  }
0x44: {  	[sflag:s22] =	ssyncset.done $0x0  }
0x45: {  	s0 =	simm.s32 $0x80;
	[sflag:s22] =	ssyncadd.s32 $0xFFFFFFB0  }
0x46: {  	[tilespmem:s14], [sflag:$0x1] =	stream.indirect.gather [hbm4b:s1+s13], $0x80, s0, s13, $0xb8;
	[tilespmem:$0x1E800] =	vst v63  }
0x47: {  	_ =	swait.ge [sflag:s23], $0x2800  }
0x48: {  	[sflag:s23] =	ssyncset.done $0x0  }
0x49: {  	s6 =	simm.s32 $0x500;
	[sflag:s23] =	ssyncadd.s32 $0xFFFFD800  }
0x4a: {  	[spmem:s3] =	stream.indirect.scatter.add.f32 [tilespmem:s16], [sflag:$0xD], $0x80, s6, s13, $0xb8;
	[tilespmem:$0x1E800] =	vst v63  }
0x4b: {  	_ =	swait.ge [sflag:s7], $0x2800  }
0x4c: {  	[sflag:s7] =	ssyncset.done $0x0  }
0x4d: {  	[sflag:s7] =	ssyncadd.s32 $0xFFFFD800  }
0x4e: {  	_ =	swait.ge [sflag:s25], $0x2800  }
0x4f: {  	[sflag:s25] =	ssyncset.done $0x0  }
0x50: {  	s4 =	simm.s32 $0x600;
	[sflag:s25] =	ssyncadd.s32 $0xFFFFD800  }
0x51: {  	[spmem:s3] =	stream.indirect.scatter.add.f32 [tilespmem:s18], [sflag:$0xD], $0x80, s4, s13, $0xb8;
	[tilespmem:$0x1E800] =	vst v63  }
0x52: {  	_ =	swait.ge [sflag:s7], $0x2800  }
0x53: {  	[sflag:s7] =	ssyncset.done $0x0  }
0x54: {  	[sflag:s7] =	ssyncadd.s32 $0xFFFFD800  }
0x55: {  	_ =	swait.ge [sflag:s29], $0x2800  }
0x56: {  	[sflag:s29] =	ssyncset.done $0x0  }
0x57: {  	s2 =	simm.s32 $0x700;
	[sflag:s29] =	ssyncadd.s32 $0xFFFFD800  }
0x58: {  	[spmem:s3] =	stream.indirect.scatter.add.f32 [tilespmem:s20], [sflag:$0xD], $0x80, s2, s13, $0xb8;
	[tilespmem:$0x1E800] =	vst v63  }
0x59: {  	_ =	swait.ge [sflag:s7], $0x2800  }
0x5a: {  	[sflag:s7] =	ssyncset.done $0x0  }
0x5b: {  	[sflag:s7] =	ssyncadd.s32 $0xFFFFD800  }
0x5c: {  	_ =	swait.ge [sflag:s21], $0x2800  }
0x5d: {  	[sflag:s21] =	ssyncset.done $0x0  }
0x5e: {  	s9 =	simm.s32 $0x480;
	[sflag:s21] =	ssyncadd.s32 $0xFFFFD800  }
0x5f: {  	[spmem:s3] =	stream.indirect.scatter.add.f32 [tilespmem:s14], [sflag:$0xD], $0x80, s9, s13, $0xb8;
	[tilespmem:$0x1E800] =	vst v63  }
0x60: {  	_ =	swait.ge [sflag:s7], $0x2800  }
0x61: {  	[sflag:s7] =	ssyncset.done $0x0  }
0x62: {  	[sflag:s7] =	ssyncadd.s32 $0xFFFFD800  }
0x63: {  	[bflag:$0x0] =	sbarrier.arrive $0xFFFF  }
0x64: {  	s28 =	rddreg [dreg:$0x7]  }
0x65: {  	s30 =	rddreg [dreg:$0x8]  }
0x66: {  	s12 =	rddreg [dreg:$0xa];
	s0 =	sshrl.u32 @p0 s28, $0x3  }
0x67: {  	[hbm:s12], [sflag:s30] =	dma.local @p0 [spmem:s0], $0x1900  }
0x68: {  	s0 =	simm.s32 @p0 $0xD  }
0x69: {  	_ =	swait.ge @p0 [sflag:s0], $0x1900  }
0x6a: {  	[sflag:s0] =	ssyncset.done @p0 $0x0  }
0x6b: {  	s12 =	rddreg [dreg:$0x9];
	[sflag:s0] =	ssyncadd.s32 @p0 $0xFFFFE700;
	s0 =	sshrl.u32 @!p0 s28, $0x3  }
0x6c: {  	[hbm:s12], [sflag:s30] =	dma.local @!p0 [spmem:s0], $0x2800  }
0x6d: {  	s0 =	simm.s32 @!p0 $0xD  }
0x6e: {  	_ =	swait.ge @!p0 [sflag:s0], $0x2800  }
0x6f: {  	s9 =	sld [smem:$0x7F2];
	_ =	sdelay $0x2  }
0x70: {  	s10 =	rddreg [dreg:$0xb];
	s9 =	sadd.s32 $0x1, s9  }
0x71: {  	p1 =	sne.s32 s9, s10  }
.Ltmp1:
0x72: {  	_ = 	snop;
	(pc) =	sbr.rel @!p1 .LBB2_5-.Ltmp1, $3  }
0x73: {  	_ =	sdelay $0x1  }
0x74: {  	[sflag:s0] =	ssyncset.done @!p0 $0x0  }
0x75: {  	s4 =	simm.s32 $0x80;
	s12 =	simm.s32 $0x480;
	[sflag:s0] =	ssyncadd.s32 @!p0 $0xFFFFD800  }
.LBB2_1:
0x76: {  	[smem:$0x7F2] =	sst s9  }
0x77: {  	s0 =	rddreg [dreg:$0x6]  }
0x78: {  	s9 =	rddreg [dreg:$0x1c]  }
0x79: {  	[tilespmem:s5], [sflag:$0x5] =	stream.linear.gather [hbm4b:s0+s5], $0x50, $0x38;
	[tilespmem:$0x1E800] =	vst v63  }
0x7a: {  	s10 =	rddreg [dreg:$0x1d]  }
0x7b: {  	[tilespmem:s31], [sflag:$0x5] =	stream.linear.gather [hbm4b:s9+s5], $0x50, $0x38;
	[tilespmem:$0x1E800] =	vst v63  }
0x7c: {  	s9 =	rddreg [dreg:$0x1e]  }
0x7d: {  	[tilespmem:s4], [sflag:$0x6] =	stream.linear.gather [hbm4b:s10+s5], $0x50, $0x38;
	[tilespmem:$0x1E800] =	vst v63  }
0x7e: {  	s10 =	rddreg [dreg:$0x1f]  }
0x7f: {  	[tilespmem:s12], [sflag:$0x6] =	stream.linear.gather [hbm4b:s9+s5], $0x50, $0x38;
	[tilespmem:$0x1E800] =	vst v63  }
0x80: {  	s4 =	simm.s32 $0x100;
	s12 =	sld [smem:$0x7F3]  }
0x81: {  	[tilespmem:s4], [sflag:$0x7] =	stream.linear.gather [hbm4b:s10+s5], $0x50, $0x38;
	[tilespmem:$0x1E800] =	vst v63  }
0x82: {  	s9 =	sld [smem:$0x7F4]  }
0x83: {  	[tilespmem:s6], [sflag:$0x7] =	stream.linear.gather [hbm4b:s12+s5], $0x50, $0x38;
	[tilespmem:$0x1E800] =	vst v63  }
0x84: {  	s10 =	simm.s32 $0x180  }
0x85: {  	[tilespmem:s10], [sflag:$0x8] =	stream.linear.gather [hbm4b:s9+s5], $0x50, $0x38;
	[tilespmem:$0x1E800] =	vst v63  }
0x86: {  	s9 =	sld [smem:$0x7F5];
	_ =	sdelay $0x1  }
0x87: {  	s0 =	sld [smem:$0x7F6];
	s10 =	simm.s32 $0x580  }
0x88: {  	[tilespmem:s10], [sflag:$0x8] =	stream.linear.gather [hbm4b:s9+s5], $0x50, $0x38;
	[tilespmem:$0x1E800] =	vst v63  }
0x89: {  	s10 =	simm.s32 $0x200  }
0x8a: {  	[tilespmem:s10], [sflag:$0x9] =	stream.linear.gather [hbm4b:s0+s5], $0x50, $0x38;
	[tilespmem:$0x1E800] =	vst v63  }
0x8b: {  	s0 =	sld [smem:$0x7F7];
	_ =	sdelay $0x1  }
0x8c: {  	s12 =	simm.s32 $0x600  }
0x8d: {  	[tilespmem:s12], [sflag:$0x9] =	stream.linear.gather [hbm4b:s0+s5], $0x50, $0x38;
	[tilespmem:$0x1E800] =	vst v63  }
0x8e: {  	s0 =	sld [smem:$0x7F8];
	_ =	sdelay $0x1  }
0x8f: {  	s12 =	simm.s32 $0x280  }
0x90: {  	[tilespmem:s12], [sflag:$0xA] =	stream.linear.gather [hbm4b:s0+s5], $0x50, $0x38;
	[tilespmem:$0x1E800] =	vst v63  }
0x91: {  	s0 =	sld [smem:$0x7F9];
	_ =	sdelay $0x1  }
0x92: {  	s12 =	simm.s32 $0x680  }
0x93: {  	[tilespmem:s12], [sflag:$0xA] =	stream.linear.gather [hbm4b:s0+s5], $0x50, $0x38;
	[tilespmem:$0x1E800] =	vst v63  }
0x94: {  	s0 =	sld [smem:$0x7FA];
	_ =	sdelay $0x1  }
0x95: {  	s12 =	simm.s32 $0x300  }
0x96: {  	[tilespmem:s12], [sflag:$0xB] =	stream.linear.gather [hbm4b:s0+s5], $0x50, $0x38;
	[tilespmem:$0x1E800] =	vst v63  }
0x97: {  	s12 =	sld [smem:$0x7FB];
	_ =	sdelay $0x2  }
0x98: {  	[tilespmem:s2], [sflag:$0xB] =	stream.linear.gather [hbm4b:s12+s5], $0x50, $0x38;
	[tilespmem:$0x1E800] =	vst v63  }
0x99: {  	s2 =	sld [smem:$0x7FC];
	_ =	sdelay $0x1  }
0x9a: {  	s12 =	simm.s32 $0x380  }
0x9b: {  	[tilespmem:s12], [sflag:$0xC] =	stream.linear.gather [hbm4b:s2+s5], $0x50, $0x38;
	[tilespmem:$0x1E800] =	vst v63  }
0x9c: {  	s12 =	sld [smem:$0x7FD];
	_ =	sdelay $0x1  }
0x9d: {  	s9 =	simm.s32 $0x780;
	s0 =	sshrl.u32 s28, $0x3;
	s2 =	rddreg [dreg:$0x5]  }
0x9e: {  	[tilespmem:s9], [sflag:$0xC] =	stream.linear.gather [hbm4b:s12+s5], $0x50, $0x38;
	[tilespmem:$0x1E800] =	vst v63  }
0x9f: {  	[spmem:s0], [sflag:s30] =	dma.local [hbm:s2], $0x2800  }
0xa0: {  	_ =	swait.ge [sflag:s7], $0x2800  }
0xa1: {  	[sflag:s7] =	ssyncset.done $0x0  }
0xa2: {  	[sflag:s7] =	ssyncadd.s32 $0xFFFFD800  }
0xa3: {  	_ =	swait.ge [sflag:s8], $0x50  }
0xa4: {  	[sflag:s8] =	ssyncset.done $0x0  }
0xa5: {  	[sflag:s8] =	ssyncadd.s32 $0xFFFFFFB0  }
0xa6: {  	_ =	swait.ge [sflag:s8], $0x50  }
0xa7: {  	[sflag:s8] =	ssyncset.done $0x0  }
0xa8: {  	[sflag:s8] =	ssyncadd.s32 $0xFFFFFFB0  }
0xa9: {  	[tilespmem:s14], [sflag:$0x1] =	stream.indirect.gather [hbm4b:s1+s13], $0x80, s5, s13, $0xb8;
	[tilespmem:$0x1E800] =	vst v63  }
0xaa: {  	_ =	swait.ge [sflag:s15], $0x50  }
0xab: {  	[sflag:s15] =	ssyncset.done $0x0  }
0xac: {  	[sflag:s15] =	ssyncadd.s32 $0xFFFFFFB0  }
0xad: {  	_ =	swait.ge [sflag:s15], $0x50  }
0xae: {  	[sflag:s15] =	ssyncset.done $0x0  }
0xaf: {  	[sflag:s15] =	ssyncadd.s32 $0xFFFFFFB0  }
0xb0: {  	[tilespmem:s16], [sflag:$0x2] =	stream.indirect.gather [hbm4b:s1+s13], $0x80, s4, s13, $0xb8;
	[tilespmem:$0x1E800] =	vst v63  }
0xb1: {  	_ =	swait.ge [sflag:s17], $0x50  }
0xb2: {  	[sflag:s17] =	ssyncset.done $0x0  }
0xb3: {  	[sflag:s17] =	ssyncadd.s32 $0xFFFFFFB0  }
0xb4: {  	_ =	swait.ge [sflag:s17], $0x50  }
0xb5: {  	[sflag:s17] =	ssyncset.done $0x0  }
0xb6: {  	[sflag:s17] =	ssyncadd.s32 $0xFFFFFFB0  }
0xb7: {  	[tilespmem:s18], [sflag:$0x3] =	stream.indirect.gather [hbm4b:s1+s13], $0x80, s10, s13, $0xb8;
	[tilespmem:$0x1E800] =	vst v63  }
0xb8: {  	_ =	swait.ge [sflag:s19], $0x50  }
0xb9: {  	[sflag:s19] =	ssyncset.done $0x0  }
0xba: {  	[sflag:s19] =	ssyncadd.s32 $0xFFFFFFB0  }
0xbb: {  	_ =	swait.ge [sflag:s19], $0x50  }
0xbc: {  	[sflag:s19] =	ssyncset.done $0x0  }
0xbd: {  	s30 =	simm.s32 $0x300;
	[sflag:s19] =	ssyncadd.s32 $0xFFFFFFB0  }
0xbe: {  	[tilespmem:s20], [sflag:$0x4] =	stream.indirect.gather [hbm4b:s1+s13], $0x80, s30, s13, $0xb8;
	[tilespmem:$0x1E800] =	vst v63  }
0xbf: {  	[bflag:$0x0] =	sbarrier.arrive $0xFFFF  }
0xc0: {  	s28 =	simm.s32 $0x0;
	s10 =	simm.s32 $0x600;
	s12 =	rddreg [dreg:$0x1a]  }
.LBB2_2:
0xc1: {  	_ =	swait.ge [sflag:s21], $0x2800  }
0xc2: {  	[sflag:s21] =	ssyncset.done $0x0  }
0xc3: {  	[sflag:s21] =	ssyncadd.s32 $0xFFFFD800  }
0xc4: {  	[spmem:s3] =	stream.indirect.scatter.add.f32 [tilespmem:s14], [sflag:$0xD], $0x80, s31, s13, $0xb8;
	[tilespmem:$0x1E800] =	vst v63  }
0xc5: {  	_ =	swait.ge [sflag:s7], $0x2800  }
0xc6: {  	[sflag:s7] =	ssyncset.done $0x0  }
0xc7: {  	[sflag:s7] =	ssyncadd.s32 $0xFFFFD800  }
0xc8: {  	_ =	swait.ge [sflag:s22], $0x50  }
0xc9: {  	[sflag:s22] =	ssyncset.done $0x0  }
0xca: {  	[sflag:s22] =	ssyncadd.s32 $0xFFFFFFB0  }
0xcb: {  	_ =	swait.ge [sflag:s22], $0x50  }
0xcc: {  	[sflag:s22] =	ssyncset.done $0x0  }
0xcd: {  	s4 =	simm.s32 $0x80;
	[sflag:s22] =	ssyncadd.s32 $0xFFFFFFB0  }
0xce: {  	[tilespmem:s14], [sflag:$0x1] =	stream.indirect.gather [hbm4b:s1+s13], $0x80, s4, s13, $0xb8;
	[tilespmem:$0x1E800] =	vst v63  }
0xcf: {  	s30 =	sshrl.u32 s12, $0x3;
	s0 =	rddreg [dreg:$0x1]  }
0xd0: {  	s30 =	sadd.s32 s0, s30  }
0xd1: {  	[tilespmem:s5], [sflag:$0x5] =	stream.linear.gather [hbm4b:s30+s5], $0x50, $0x38;
	[tilespmem:$0x1E800] =	vst v63  }
0xd2: {  	s30 =	rddreg [dreg:$0x1b]  }
0xd3: {  	s2 =	sadd.s32 s28, s30  }
0xd4: {  	[tilespmem:s31], [sflag:$0x5] =	stream.linear.gather [hbm4b:s2+s5], $0x50, $0x38;
	[tilespmem:$0x1E800] =	vst v63  }
0xd5: {  	_ =	swait.ge [sflag:s23], $0x2800  }
0xd6: {  	[sflag:s23] =	ssyncset.done $0x0  }
0xd7: {  	[sflag:s23] =	ssyncadd.s32 $0xFFFFD800  }
0xd8: {  	[spmem:s3] =	stream.indirect.scatter.add.f32 [tilespmem:s16], [sflag:$0xD], $0x80, s6, s13, $0xb8;
	[tilespmem:$0x1E800] =	vst v63  }
0xd9: {  	_ =	swait.ge [sflag:s7], $0x2800  }
0xda: {  	[sflag:s7] =	ssyncset.done $0x0  }
0xdb: {  	[sflag:s7] =	ssyncadd.s32 $0xFFFFD800  }
0xdc: {  	_ =	swait.ge [sflag:s24], $0x50  }
0xdd: {  	[sflag:s24] =	ssyncset.done $0x0  }
0xde: {  	[sflag:s24] =	ssyncadd.s32 $0xFFFFFFB0  }
0xdf: {  	_ =	swait.ge [sflag:s24], $0x50  }
0xe0: {  	[sflag:s24] =	ssyncset.done $0x0  }
0xe1: {  	s30 =	simm.s32 $0x180;
	s31 =	rddreg [dreg:$0x18];
	[sflag:s24] =	ssyncadd.s32 $0xFFFFFFB0  }
0xe2: {  	[tilespmem:s16], [sflag:$0x2] =	stream.indirect.gather [hbm4b:s1+s13], $0x80, s30, s13, $0xb8;
	[tilespmem:$0x1E800] =	vst v63  }
0xe3: {  	s6 =	simm.s32 $0x100;
	s2 =	sadd.s32 s28, s31;
	s30 =	rddreg [dreg:$0x19]  }
0xe4: {  	[tilespmem:s6], [sflag:$0x7] =	stream.linear.gather [hbm4b:s2+s5], $0x50, $0x38;
	[tilespmem:$0x1E800] =	vst v63  }
0xe5: {  	s31 =	simm.s32 $0x500;
	s2 =	sadd.s32 s28, s30  }
0xe6: {  	[tilespmem:s31], [sflag:$0x7] =	stream.linear.gather [hbm4b:s2+s5], $0x50, $0x38;
	[tilespmem:$0x1E800] =	vst v63  }
0xe7: {  	_ =	swait.ge [sflag:s25], $0x2800  }
0xe8: {  	[sflag:s25] =	ssyncset.done $0x0  }
0xe9: {  	[sflag:s25] =	ssyncadd.s32 $0xFFFFD800  }
0xea: {  	[spmem:s3] =	stream.indirect.scatter.add.f32 [tilespmem:s18], [sflag:$0xD], $0x80, s10, s13, $0xb8;
	[tilespmem:$0x1E800] =	vst v63  }
0xeb: {  	_ =	swait.ge [sflag:s7], $0x2800  }
0xec: {  	[sflag:s7] =	ssyncset.done $0x0  }
0xed: {  	[sflag:s7] =	ssyncadd.s32 $0xFFFFD800  }
0xee: {  	_ =	swait.ge [sflag:s26], $0x50  }
0xef: {  	[sflag:s26] =	ssyncset.done $0x0  }
0xf0: {  	[sflag:s26] =	ssyncadd.s32 $0xFFFFFFB0  }
0xf1: {  	_ =	swait.ge [sflag:s26], $0x50  }
0xf2: {  	[sflag:s26] =	ssyncset.done $0x0  }
0xf3: {  	s30 =	simm.s32 $0x280;
	s31 =	rddreg [dreg:$0x16];
	[sflag:s26] =	ssyncadd.s32 $0xFFFFFFB0  }
0xf4: {  	[tilespmem:s18], [sflag:$0x3] =	stream.indirect.gather [hbm4b:s1+s13], $0x80, s30, s13, $0xb8;
	[tilespmem:$0x1E800] =	vst v63  }
0xf5: {  	s10 =	simm.s32 $0x200;
	s0 =	sadd.s32 s28, s31;
	s30 =	rddreg [dreg:$0x17]  }
0xf6: {  	[tilespmem:s10], [sflag:$0x9] =	stream.linear.gather [hbm4b:s0+s5], $0x50, $0x38;
	[tilespmem:$0x1E800] =	vst v63  }
0xf7: {  	s2 =	simm.s32 $0x600;
	s0 =	sadd.s32 s28, s30  }
0xf8: {  	[tilespmem:s2], [sflag:$0x9] =	stream.linear.gather [hbm4b:s0+s5], $0x50, $0x38;
	[tilespmem:$0x1E800] =	vst v63  }
0xf9: {  	_ =	swait.ge [sflag:s29], $0x2800  }
0xfa: {  	[sflag:s29] =	ssyncset.done $0x0  }
0xfb: {  	s31 =	simm.s32 $0x700;
	[sflag:s29] =	ssyncadd.s32 $0xFFFFD800  }
0xfc: {  	[spmem:s3] =	stream.indirect.scatter.add.f32 [tilespmem:s20], [sflag:$0xD], $0x80, s31, s13, $0xb8;
	[tilespmem:$0x1E800] =	vst v63  }
0xfd: {  	_ =	swait.ge [sflag:s7], $0x2800  }
0xfe: {  	[sflag:s7] =	ssyncset.done $0x0  }
0xff: {  	[sflag:s7] =	ssyncadd.s32 $0xFFFFD800  }
0x100: {  	_ =	swait.ge [sflag:s11], $0x50  }
0x101: {  	[sflag:s11] =	ssyncset.done $0x0  }
0x102: {  	[sflag:s11] =	ssyncadd.s32 $0xFFFFFFB0  }
0x103: {  	_ =	swait.ge [sflag:s11], $0x50  }
0x104: {  	[sflag:s11] =	ssyncset.done $0x0  }
0x105: {  	s2 =	simm.s32 $0x380;
	s30 =	rddreg [dreg:$0x14];
	[sflag:s11] =	ssyncadd.s32 $0xFFFFFFB0  }
0x106: {  	[tilespmem:s20], [sflag:$0x4] =	stream.indirect.gather [hbm4b:s1+s13], $0x80, s2, s13, $0xb8;
	[tilespmem:$0x1E800] =	vst v63  }
0x107: {  	s0 =	sadd.s32 s28, s30;
	s30 =	rddreg [dreg:$0x15];
	s2 =	simm.s32 $0x300  }
0x108: {  	[tilespmem:s2], [sflag:$0xB] =	stream.linear.gather [hbm4b:s0+s5], $0x50, $0x38;
	[tilespmem:$0x1E800] =	vst v63  }
0x109: {  	s0 =	sadd.s32 s28, s30  }
0x10a: {  	[tilespmem:s31], [sflag:$0xB] =	stream.linear.gather [hbm4b:s0+s5], $0x50, $0x38;
	[tilespmem:$0x1E800] =	vst v63  }
0x10b: {  	_ =	swait.ge [sflag:s21], $0x2800  }
0x10c: {  	[sflag:s21] =	ssyncset.done $0x0  }
0x10d: {  	s31 =	simm.s32 $0x480;
	[sflag:s21] =	ssyncadd.s32 $0xFFFFD800  }
0x10e: {  	[spmem:s3] =	stream.indirect.scatter.add.f32 [tilespmem:s14], [sflag:$0xD], $0x80, s31, s13, $0xb8;
	[tilespmem:$0x1E800] =	vst v63  }
0x10f: {  	_ =	swait.ge [sflag:s7], $0x2800  }
0x110: {  	[sflag:s7] =	ssyncset.done $0x0  }
0x111: {  	[sflag:s7] =	ssyncadd.s32 $0xFFFFD800  }
0x112: {  	_ =	swait.ge [sflag:s8], $0x50  }
0x113: {  	[sflag:s8] =	ssyncset.done $0x0  }
0x114: {  	[sflag:s8] =	ssyncadd.s32 $0xFFFFFFB0  }
0x115: {  	_ =	swait.ge [sflag:s8], $0x50  }
0x116: {  	[sflag:s8] =	ssyncset.done $0x0  }
0x117: {  	s30 =	rddreg [dreg:$0x12];
	[sflag:s8] =	ssyncadd.s32 $0xFFFFFFB0  }
0x118: {  	[tilespmem:s14], [sflag:$0x1] =	stream.indirect.gather [hbm4b:s1+s13], $0x80, s5, s13, $0xb8;
	[tilespmem:$0x1E800] =	vst v63  }
0x119: {  	s0 =	sadd.s32 s28, s30;
	s30 =	rddreg [dreg:$0x13]  }
0x11a: {  	[tilespmem:s4], [sflag:$0x6] =	stream.linear.gather [hbm4b:s0+s5], $0x50, $0x38;
	[tilespmem:$0x1E800] =	vst v63  }
0x11b: {  	s4 =	sadd.s32 s28, s30  }
0x11c: {  	[tilespmem:s31], [sflag:$0x6] =	stream.linear.gather [hbm4b:s4+s5], $0x50, $0x38;
	[tilespmem:$0x1E800] =	vst v63  }
0x11d: {  	_ =	swait.ge [sflag:s23], $0x2800  }
0x11e: {  	[sflag:s23] =	ssyncset.done $0x0  }
0x11f: {  	s30 =	simm.s32 $0x580;
	[sflag:s23] =	ssyncadd.s32 $0xFFFFD800  }
0x120: {  	[spmem:s3] =	stream.indirect.scatter.add.f32 [tilespmem:s16], [sflag:$0xD], $0x80, s30, s13, $0xb8;
	[tilespmem:$0x1E800] =	vst v63  }
0x121: {  	_ =	swait.ge [sflag:s7], $0x2800  }
0x122: {  	[sflag:s7] =	ssyncset.done $0x0  }
0x123: {  	[sflag:s7] =	ssyncadd.s32 $0xFFFFD800  }
0x124: {  	_ =	swait.ge [sflag:s15], $0x50  }
0x125: {  	[sflag:s15] =	ssyncset.done $0x0  }
0x126: {  	[sflag:s15] =	ssyncadd.s32 $0xFFFFFFB0  }
0x127: {  	_ =	swait.ge [sflag:s15], $0x50  }
0x128: {  	[sflag:s15] =	ssyncset.done $0x0  }
0x129: {  	p1 =	seq.s32 s28, $0x460;
	s0 =	rddreg [dreg:$0x10];
	[sflag:s15] =	ssyncadd.s32 $0xFFFFFFB0  }
0x12a: {  	[tilespmem:s16], [sflag:$0x2] =	stream.indirect.gather [hbm4b:s1+s13], $0x80, s6, s13, $0xb8;
	[tilespmem:$0x1E800] =	vst v63  }
0x12b: {  	s31 =	simm.s32 @!p1 $0x180;
	s30 =	sadd.s32 @!p1 s28, s0;
	s0 =	simm.s32 @!p1 $0x0  }
0x12c: {  	[tilespmem:s31], [sflag:$0x8] =	stream.linear.gather @!p1 [hbm4b:s30+s0], $0x50, $0x38;
	[tilespmem:$0x1E800] =	vst v63  }
0x12d: {  	s30 =	rddreg [dreg:$0x11]  }
0x12e: {  	s31 =	simm.s32 @!p1 $0x580;
	s30 =	sadd.s32 @!p1 s28, s30  }
0x12f: {  	[tilespmem:s31], [sflag:$0x8] =	stream.linear.gather @!p1 [hbm4b:s30+s0], $0x50, $0x38;
	[tilespmem:$0x1E800] =	vst v63  }
0x130: {  	_ =	swait.ge [sflag:s25], $0x2800  }
0x131: {  	[sflag:s25] =	ssyncset.done $0x0  }
0x132: {  	s31 =	simm.s32 $0x680;
	[sflag:s25] =	ssyncadd.s32 $0xFFFFD800  }
0x133: {  	[spmem:s3] =	stream.indirect.scatter.add.f32 [tilespmem:s18], [sflag:$0xD], $0x80, s31, s13, $0xb8;
	[tilespmem:$0x1E800] =	vst v63  }
0x134: {  	_ =	swait.ge [sflag:s7], $0x2800  }
0x135: {  	[sflag:s7] =	ssyncset.done $0x0  }
0x136: {  	[sflag:s7] =	ssyncadd.s32 $0xFFFFD800  }
0x137: {  	_ =	swait.ge [sflag:s17], $0x50  }
0x138: {  	[sflag:s17] =	ssyncset.done $0x0  }
0x139: {  	[sflag:s17] =	ssyncadd.s32 $0xFFFFFFB0  }
0x13a: {  	_ =	swait.ge [sflag:s17], $0x50  }
0x13b: {  	[sflag:s17] =	ssyncset.done $0x0  }
0x13c: {  	s30 =	rddreg [dreg:$0xe];
	[sflag:s17] =	ssyncadd.s32 $0xFFFFFFB0  }
0x13d: {  	[tilespmem:s18], [sflag:$0x3] =	stream.indirect.gather [hbm4b:s1+s13], $0x80, s10, s13, $0xb8;
	[tilespmem:$0x1E800] =	vst v63  }
0x13e: {  	s31 =	simm.s32 @!p1 $0x280;
	s30 =	sadd.s32 @!p1 s28, s30  }
0x13f: {  	[tilespmem:s31], [sflag:$0xA] =	stream.linear.gather @!p1 [hbm4b:s30+s0], $0x50, $0x38;
	[tilespmem:$0x1E800] =	vst v63  }
0x140: {  	s30 =	rddreg [dreg:$0xf]  }
0x141: {  	s31 =	simm.s32 @!p1 $0x680;
	s30 =	sadd.s32 @!p1 s28, s30  }
0x142: {  	[tilespmem:s31], [sflag:$0xA] =	stream.linear.gather @!p1 [hbm4b:s30+s0], $0x50, $0x38;
	[tilespmem:$0x1E800] =	vst v63  }
0x143: {  	_ =	swait.ge [sflag:s29], $0x2800  }
0x144: {  	[sflag:s29] =	ssyncset.done $0x0  }
0x145: {  	[sflag:s29] =	ssyncadd.s32 $0xFFFFD800  }
0x146: {  	[spmem:s3] =	stream.indirect.scatter.add.f32 [tilespmem:s20], [sflag:$0xD], $0x80, s9, s13, $0xb8;
	[tilespmem:$0x1E800] =	vst v63  }
0x147: {  	_ =	swait.ge [sflag:s7], $0x2800  }
0x148: {  	[sflag:s7] =	ssyncset.done $0x0  }
0x149: {  	[sflag:s7] =	ssyncadd.s32 $0xFFFFD800  }
0x14a: {  	_ =	swait.ge [sflag:s19], $0x50  }
0x14b: {  	[sflag:s19] =	ssyncset.done $0x0  }
0x14c: {  	[sflag:s19] =	ssyncadd.s32 $0xFFFFFFB0  }
.Ltmp2:
0x14d: {  	_ =	swait.ge [sflag:s19], $0x50;
	(pc) =	sbr.rel @p1 .LBB2_4-.Ltmp2, $4  }
0x14e: {  	[sflag:s19] =	ssyncset.done $0x0  }
0x14f: {  	[sflag:s19] =	ssyncadd.s32 $0xFFFFFFB0  }
0x150: {  	[tilespmem:s20], [sflag:$0x4] =	stream.indirect.gather [hbm4b:s1+s13], $0x80, s2, s13, $0xb8;
	[tilespmem:$0x1E800] =	vst v63  }
0x151: {  	s2 =	simm.s32 $0x780  }
0x152: {  	s0 =	rddreg [dreg:$0xc]  }
0x153: {  	s4 =	simm.s32 $0x380;
	s30 =	rddreg [dreg:$0xd]  }
.Ltmp3:
0x154: {  	s12 =	sadd.s32 $0x280, s12;
	s31 =	simm.s32 $0x400;
	(pc) =	sbr.rel .LBB2_2-.Ltmp3, $4  }
0x155: {  	s6 =	simm.s32 $0x500;
	s9 =	simm.s32 $0x780;
	s0 =	sadd.s32 s28, s0  }
0x156: {  	[tilespmem:s4], [sflag:$0xC] =	stream.linear.gather [hbm4b:s0+s5], $0x50, $0x38;
	[tilespmem:$0x1E800] =	vst v63  }
0x157: {  	s10 =	simm.s32 $0x600;
	s0 =	sadd.s32 s28, s30;
	s28 =	sadd.s32 $0x50, s28  }
0x158: {  	[tilespmem:s2], [sflag:$0xC] =	stream.linear.gather [hbm4b:s0+s5], $0x50, $0x38;
	[tilespmem:$0x1E800] =	vst v63  }
.LBB2_5:
0x159: {  	_ =	sfence.sel $0x180000  }
0x15a: {  	[bflag:$0x0] =	sbarrier.arrive $0xFFFF  }
0x15b: {  	_ =	strace $0x90000047  }
0x15c: {  	s0 =	stileid.u32;
	[bflag:$0x2] =	sbarrier.arrive $0xFFFF  }
0x15d: {  	p0 =	sne.s32 s0, $0x0;
	s0 =	rddreg [dreg:$0x4]  }
0x15e: {  	s0 =	sadd.s32 @!p0 $0x100000, s0  }
0x15f: {  	[sflag:s0] =	ssyncadd.tile.s32 @!p0 $0x1;
	_ =	shalt  }
.Lfunc_end2:
_tile_overlayer_lowered:
.L_overlay_start_2:
0x160: {  	(tag) =	ssettag $0x2  }
0x161: {  	s0 =	rddreg [dreg:$0x0];
	s2 =	stileid.u32  }
0x162: {  	s1 =	rddreg [dreg:$0x1];
	p0 =	sne.s32 s2, $0x0  }
0x163: {  	s3 =	rddreg [dreg:$0x2];
	[bflag:$0x3] =	sbarrier.arrive $0xFFFF;
	s2 =	simm.s32 @!p0 $0x1C0D  }
0x164: {  	[timem:s3], [sflag:s2] =	dma.local @!p0 [hbm:s0], s1  }
0x165: {  	s0 =	simm.s32 @!p0 $0xD  }
0x166: {  	_ =	swait.ge @!p0 [sflag:s0], s1  }
0x167: {  	s1 =	ssub.s32 @!p0 $0x0, s1;
	[sflag:s0] =	ssyncset.done @!p0 $0x0  }
0x168: {  	[sflag:s0] =	ssyncadd.s32 @!p0 s1  }
0x169: {  	[bflag:$0x3] =	sbarrier.arrive $0xFFFF  }
0x16a: {  	_ =	shalt  }

</sc_bundles>
